<compile_context>
chip_gen: v7x
topology: tpu7x:2x2x1
jax: 0.10.2.dev20260603
libtpu: 0.0.44.dev20260713+nightly
codegen_flags: <defaults>
</compile_context>

<pallas_src>
import functools

import jax
import jax.numpy as jnp
from jax import lax
from jax.experimental import pallas as pl
from jax.experimental.pallas import tpu as pltpu
from jax.experimental.pallas import tpu_sc as plsc

B, S, H = 64, 128, 2048
N = B * S
NC, NS = 2, 16
NW = NC * NS
RPW = N // NW
RC = 32
L = 16

_mesh = plsc.VectorSubcoreMesh(core_axis_name="c", subcore_axis_name="s")


@functools.partial(
    pl.kernel,
    mesh=_mesh,
    out_type=jax.ShapeDtypeStruct((N, H), jnp.float32),
    scratch_types=[
        pltpu.VMEM((RPW + L,), jnp.int32),
        pltpu.VMEM_SHARED((S, H), jnp.float32),
        pltpu.SemaphoreType.DMA,
    ],
)
def _sc_expand(ids_hbm, tab_hbm, out_hbm, idx_v, tabs, sem):
    wid = lax.axis_index("s") * NC + lax.axis_index("c")
    sid = lax.axis_index("s")
    row0 = wid * RPW
    rows_stage = S // NS
    pltpu.sync_copy(tab_hbm.at[pl.ds(sid * rows_stage, rows_stage)],
                    tabs.at[pl.ds(sid * rows_stage, rows_stage)])
    pltpu.sync_copy(ids_hbm.at[wid], idx_v.at[pl.ds(0, RPW)])
    plsc.subcore_barrier()

    def body(ci, _):
        rbase = ci * RC
        for g in range(RC // L):
            rows = idx_v[pl.ds(rbase + g * L, L)]
            for k in range(L):
                r = rows[k]
                pltpu.async_copy(
                    tabs.at[r],
                    out_hbm.at[row0 + rbase + g * L + k],
                    sem)
        @pl.when(ci > 0)
        def _():
            for _k in range(RC):
                pltpu.make_async_copy(
                    tabs.at[0], out_hbm.at[row0], sem).wait()
        return 0

    lax.fori_loop(0, RPW // RC, body, 0)
    for _k in range(RC):
        pltpu.make_async_copy(
            tabs.at[0], out_hbm.at[row0], sem).wait()


RB = 1024
G = N // RB


def _tc_body(ids_ref, tab_ref, out_ref):
    ids = ids_ref[0, 0]
    onehot = (ids[:, None]
              == lax.broadcasted_iota(jnp.int32, (RB, S), 1)
              ).astype(jnp.float32)
    out_ref[...] = jnp.dot(onehot, tab_ref[...],
                           preferred_element_type=jnp.float32)


_tc_gather = pl.pallas_call(
    _tc_body,
    grid=(G,),
    in_specs=[
        pl.BlockSpec((1, 1, RB), lambda i: (i, 0, 0)),
        pl.BlockSpec((S, H), lambda i: (0, 0)),
    ],
    out_specs=pl.BlockSpec((RB, H), lambda i: (i, 0)),
    out_shape=jax.ShapeDtypeStruct((N, H), jnp.float32),
)


def kernel(prefix_ids, key_table, value_table):
    ids_sc = prefix_ids.reshape(NW, RPW)
    ids_tc = prefix_ids.reshape(G, 1, RB)
    v = _tc_gather(ids_tc, value_table)
    k = _sc_expand(ids_sc, key_table)
    return k.reshape(B, S, H), v.reshape(B, S, H)

# --- scband reference (transcript-rebuilt; emitter-appended) ---
"""Pipeline reference for scband-pseudo-prefix-encoder-47553877901619 (READ-ONLY COPY).

The authoritative reference and input builder live on the scoring server;
editing this copy changes nothing except your own understanding.
"""

import jax, jax.numpy as jnp
import numpy as np

PRE_SEQ_LEN = 128
HIDDEN = 2048
BATCH = 64


def setup_inputs(seed: int = 0) -> dict:
    key = jax.random.key(seed)
    k1, k2, k3 = jax.random.split(key, 3)
    prefix_ids = jax.random.randint(k1, (BATCH, PRE_SEQ_LEN), 0, PRE_SEQ_LEN, dtype=jnp.int32)
    key_table = jax.random.normal(k2, (PRE_SEQ_LEN, HIDDEN), dtype=jnp.float32)
    value_table = jax.random.normal(k3, (PRE_SEQ_LEN, HIDDEN), dtype=jnp.float32)
    return {"prefix_ids": prefix_ids, "key_table": key_table, "value_table": value_table}


def reference(prefix_ids, key_table, value_table):
    # nn.Embedding lookup for key prefix and value prefix.
    # Dropout is identity in eval mode (deterministic reference).
    k = jnp.take(key_table, prefix_ids, axis=0)   # [B, pre_seq_len, hidden]
    v = jnp.take(value_table, prefix_ids, axis=0)  # [B, pre_seq_len, hidden]
    return (k, v)

if __name__ == "__main__":
    import jax
    _d = setup_inputs()
    print(jax.jit(kernel)(*tuple(_d.values())))

</pallas_src>

<mosaic_0001>
#map = affine_map<(d0, d1) -> (0, 0)>
module attributes {stable_mosaic.version = 14 : i64} {
  func.func @_sc_expand(%arg0: i32, %arg1: i32, %arg2: memref<32x256xi32, #tpu.memory_space<hbm>>, %arg3: memref<128x2048xf32, #tpu.memory_space<hbm>>, %arg4: memref<8192x2048xf32, #tpu.memory_space<hbm>>, %arg5: memref<272xi32, #tpu.memory_space<vmem>>, %arg6: memref<128x2048xf32, #tpu.memory_space<vmem_shared>>, %arg7: memref<!tpu.dma_semaphore, #tpu.memory_space<semaphore_mem>>) attributes {dimension_semantics = [#tpu.dimension_semantics<core_parallel>, #tpu.dimension_semantics<subcore_parallel>], iteration_bounds = array<i64: 2, 16>, scalar_prefetch = 0 : i64, scratch_operands = 3 : i64, tpu.core_type = #tpu.core_type<sc_vector_subcore>, window_params = [{transform_indices = #map}, {transform_indices = #map}, {transform_indices = #map}]} {
    %mul3A = arith.constant 2 : i32
    %mul3A_0 = arith.muli %arg1, %mul3A : i32
    %add3A = arith.addi %mul3A_0, %arg0 : i32
    %mul3A_1 = arith.constant 256 : i32
    %mul3A_2 = arith.muli %add3A, %mul3A_1 : i32
    %mul3A_3 = arith.constant 8 : i32
    %mul3A_4 = arith.muli %arg1, %mul3A_3 : i32
    %mul3A_5 = arith.constant 8 : i32
    %mul3A_6 = arith.muli %arg1, %mul3A_5 : i32
    "tpu.region"() ({
      %run_scoped3A = tpu.sem_alloc : memref<!tpu.dma_semaphore, #tpu.memory_space<semaphore_mem>>
      %dma_start3A = arith.constant 0 : i32
      %dma_start3A_236 = tpu.memref_slice %arg6[%mul3A_6, %dma_start3A] : memref<128x2048xf32, #tpu.memory_space<vmem_shared>> -> memref<8x2048xf32, #tpu.memory_space<vmem_shared>>
      %dma_start3A_237 = arith.constant 0 : i32
      %dma_start3A_238 = tpu.memref_slice %arg3[%mul3A_4, %dma_start3A_237] : memref<128x2048xf32, #tpu.memory_space<hbm>> -> memref<8x2048xf32, #tpu.memory_space<hbm>>
      tpu.enqueue_dma source(%dma_start3A_238 : memref<8x2048xf32, #tpu.memory_space<hbm>>) target(%dma_start3A_236 : memref<8x2048xf32, #tpu.memory_space<vmem_shared>>) target_semaphore(%run_scoped3A : memref<!tpu.dma_semaphore, #tpu.memory_space<semaphore_mem>>)
      %dma_wait3A_239 = arith.constant 0 : i32
      %dma_wait3A_240 = tpu.memref_slice %arg6[%mul3A_6, %dma_wait3A_239] : memref<128x2048xf32, #tpu.memory_space<vmem_shared>> -> memref<8x2048xf32, #tpu.memory_space<vmem_shared>>
      %dma_wait3A_241 = arith.constant 0 : i32
      %dma_wait3A_242 = tpu.memref_slice %arg3[%mul3A_4, %dma_wait3A_241] : memref<128x2048xf32, #tpu.memory_space<hbm>> -> memref<8x2048xf32, #tpu.memory_space<hbm>>
      tpu.wait_dma2 semaphore(%run_scoped3A : memref<!tpu.dma_semaphore, #tpu.memory_space<semaphore_mem>>) src(%dma_wait3A_242 : memref<8x2048xf32, #tpu.memory_space<hbm>>) dst(%dma_wait3A_240 : memref<8x2048xf32, #tpu.memory_space<vmem_shared>>)
      tpu.yield
    }) : () -> ()
    "tpu.region"() ({
      %run_scoped3A = tpu.sem_alloc : memref<!tpu.dma_semaphore, #tpu.memory_space<semaphore_mem>>
      %dma_start3A = arith.constant 0 : i32
      %dma_start3A_236 = tpu.memref_slice %arg5[%dma_start3A] : memref<272xi32, #tpu.memory_space<vmem>> -> memref<256xi32, #tpu.memory_space<vmem>>
      %dma_start3A_237 = arith.constant 0 : i32
      %dma_start3A_238 = tpu.memref_slice %arg2[%add3A, %dma_start3A_237] : memref<32x256xi32, #tpu.memory_space<hbm>> -> memref<1x256xi32, #tpu.memory_space<hbm>>
      %dma_start3A_239 = tpu.memref_squeeze %dma_start3A_238 : memref<1x256xi32, #tpu.memory_space<hbm>> -> memref<256xi32, #tpu.memory_space<hbm>>
      %dma_start3A_240 = arith.constant 0 : i32
      %dma_start3A_241 = tpu.memref_slice %arg5[%dma_start3A_240] : memref<272xi32, #tpu.memory_space<vmem>> -> memref<256xi32, #tpu.memory_space<vmem>>
      %dma_start3A_242 = arith.constant 0 : i32
      %dma_start3A_243 = tpu.memref_slice %arg2[%add3A, %dma_start3A_242] : memref<32x256xi32, #tpu.memory_space<hbm>> -> memref<1x256xi32, #tpu.memory_space<hbm>>
      %dma_start3A_244 = tpu.memref_squeeze %dma_start3A_243 : memref<1x256xi32, #tpu.memory_space<hbm>> -> memref<256xi32, #tpu.memory_space<hbm>>
      tpu.enqueue_dma source(%dma_start3A_244 : memref<256xi32, #tpu.memory_space<hbm>>) target(%dma_start3A_241 : memref<256xi32, #tpu.memory_space<vmem>>) target_semaphore(%run_scoped3A : memref<!tpu.dma_semaphore, #tpu.memory_space<semaphore_mem>>)
      %dma_wait3A_245 = arith.constant 0 : i32
      %dma_wait3A_246 = tpu.memref_slice %arg5[%dma_wait3A_245] : memref<272xi32, #tpu.memory_space<vmem>> -> memref<256xi32, #tpu.memory_space<vmem>>
      %dma_wait3A_247 = arith.constant 0 : i32
      %dma_wait3A_248 = tpu.memref_slice %arg2[%add3A, %dma_wait3A_247] : memref<32x256xi32, #tpu.memory_space<hbm>> -> memref<1x256xi32, #tpu.memory_space<hbm>>
      %dma_wait3A_249 = tpu.memref_squeeze %dma_wait3A_248 : memref<1x256xi32, #tpu.memory_space<hbm>> -> memref<256xi32, #tpu.memory_space<hbm>>
      %dma_wait3A_250 = arith.constant 0 : i32
      %dma_wait3A_251 = tpu.memref_slice %arg5[%dma_wait3A_250] : memref<272xi32, #tpu.memory_space<vmem>> -> memref<256xi32, #tpu.memory_space<vmem>>
      %dma_wait3A_252 = arith.constant 0 : i32
      %dma_wait3A_253 = tpu.memref_slice %arg2[%add3A, %dma_wait3A_252] : memref<32x256xi32, #tpu.memory_space<hbm>> -> memref<1x256xi32, #tpu.memory_space<hbm>>
      %dma_wait3A_254 = tpu.memref_squeeze %dma_wait3A_253 : memref<1x256xi32, #tpu.memory_space<hbm>> -> memref<256xi32, #tpu.memory_space<hbm>>
      tpu.wait_dma2 semaphore(%run_scoped3A : memref<!tpu.dma_semaphore, #tpu.memory_space<semaphore_mem>>) src(%dma_wait3A_254 : memref<256xi32, #tpu.memory_space<hbm>>) dst(%dma_wait3A_251 : memref<256xi32, #tpu.memory_space<vmem>>)
      tpu.yield
    }) : () -> ()
    %barrier3A = arith.constant 0 : index
    tpu.barrier barrier_id(%barrier3A)
    %scan3A = arith.constant 0 : i32
    %scan3A_7 = arith.constant 0 : i32
    %scan3A_8 = arith.constant 8 : i32
    %scan3A_9 = arith.addi %scan3A_7, %scan3A_8 : i32
    %scan3A_10 = arith.constant 1 : i32
    %scan3A_11 = scf.for %scan3A_236 = %scan3A_7 to %scan3A_9 step %scan3A_10 iter_args(%scan3A_237 = %scan3A) -> (i32)  : i32 {
      %mul3A_238 = arith.constant 32 : i32
      %mul3A_239 = arith.muli %scan3A_236, %mul3A_238 : i32
      %add3A_240 = arith.constant 0 : i32
      %add3A_241 = arith.addi %mul3A_239, %add3A_240 : i32
      %get3A = arith.index_cast %add3A_241 : i32 to index
      %get3A_242 = tpu.vector_load %arg5[%get3A] {strides = array<i32>} : memref<272xi32, #tpu.memory_space<vmem>>, vector<16xi32>,
      %get3A_243 = vector.shape_cast %get3A_242 : vector<16xi32> to vector<16xi32>
      %slice3A = vector.extract_strided_slice %get3A_243 {offsets = [0], sizes = [1], strides = [1]} : vector<16xi32> to vector<1xi32>
      %squeeze3A = vector.extract %slice3A[0] : i32 from vector<1xi32>
      %add3A_244 = arith.addi %mul3A_2, %mul3A_239 : i32
      %add3A_245 = arith.constant 0 : i32
      %add3A_246 = arith.addi %add3A_244, %add3A_245 : i32
      %add3A_247 = arith.constant 0 : i32
      %add3A_248 = arith.addi %add3A_246, %add3A_247 : i32
      %dma_start3A = arith.constant 0 : i32
      %dma_start3A_249 = tpu.memref_slice %arg4[%add3A_248, %dma_start3A] : memref<8192x2048xf32, #tpu.memory_space<hbm>> -> memref<1x2048xf32, #tpu.memory_space<hbm>>
      %dma_start3A_250 = tpu.memref_squeeze %dma_start3A_249 : memref<1x2048xf32, #tpu.memory_space<hbm>> -> memref<2048xf32, #tpu.memory_space<hbm>>
      %dma_start3A_251 = arith.constant 0 : i32
      %dma_start3A_252 = tpu.memref_slice %arg6[%squeeze3A, %dma_start3A_251] : memref<128x2048xf32, #tpu.memory_space<vmem_shared>> -> memref<1x2048xf32, #tpu.memory_space<vmem_shared>>
      %dma_start3A_253 = tpu.memref_squeeze %dma_start3A_252 : memref<1x2048xf32, #tpu.memory_space<vmem_shared>> -> memref<2048xf32, #tpu.memory_space<vmem_shared>>
      tpu.enqueue_dma source(%dma_start3A_253 : memref<2048xf32, #tpu.memory_space<vmem_shared>>) target(%dma_start3A_250 : memref<2048xf32, #tpu.memory_space<hbm>>) target_semaphore(%arg7 : memref<!tpu.dma_semaphore, #tpu.memory_space<semaphore_mem>>)
      %slice3A_254 = vector.extract_strided_slice %get3A_243 {offsets = [1], sizes = [1], strides = [1]} : vector<16xi32> to vector<1xi32>
      %squeeze3A_255 = vector.extract %slice3A_254[0] : i32 from vector<1xi32>
      %add3A_256 = arith.addi %mul3A_2, %mul3A_239 : i32
      %add3A_257 = arith.constant 0 : i32
      %add3A_258 = arith.addi %add3A_256, %add3A_257 : i32
      %add3A_259 = arith.constant 1 : i32
      %add3A_260 = arith.addi %add3A_258, %add3A_259 : i32
      %dma_start3A_261 = arith.constant 0 : i32
      %dma_start3A_262 = tpu.memref_slice %arg4[%add3A_260, %dma_start3A_261] : memref<8192x2048xf32, #tpu.memory_space<hbm>> -> memref<1x2048xf32, #tpu.memory_space<hbm>>
      %dma_start3A_263 = tpu.memref_squeeze %dma_start3A_262 : memref<1x2048xf32, #tpu.memory_space<hbm>> -> memref<2048xf32, #tpu.memory_space<hbm>>
      %dma_start3A_264 = arith.constant 0 : i32
      %dma_start3A_265 = tpu.memref_slice %arg6[%squeeze3A_255, %dma_start3A_264] : memref<128x2048xf32, #tpu.memory_space<vmem_shared>> -> memref<1x2048xf32, #tpu.memory_space<vmem_shared>>
      %dma_start3A_266 = tpu.memref_squeeze %dma_start3A_265 : memref<1x2048xf32, #tpu.memory_space<vmem_shared>> -> memref<2048xf32, #tpu.memory_space<vmem_shared>>
      tpu.enqueue_dma source(%dma_start3A_266 : memref<2048xf32, #tpu.memory_space<vmem_shared>>) target(%dma_start3A_263 : memref<2048xf32, #tpu.memory_space<hbm>>) target_semaphore(%arg7 : memref<!tpu.dma_semaphore, #tpu.memory_space<semaphore_mem>>)
      %slice3A_267 = vector.extract_strided_slice %get3A_243 {offsets = [2], sizes = [1], strides = [1]} : vector<16xi32> to vector<1xi32>
      %squeeze3A_268 = vector.extract %slice3A_267[0] : i32 from vector<1xi32>
      %add3A_269 = arith.addi %mul3A_2, %mul3A_239 : i32
      %add3A_270 = arith.constant 0 : i32
      %add3A_271 = arith.addi %add3A_269, %add3A_270 : i32
      %add3A_272 = arith.constant 2 : i32
      %add3A_273 = arith.addi %add3A_271, %add3A_272 : i32
      %dma_start3A_274 = arith.constant 0 : i32
      %dma_start3A_275 = tpu.memref_slice %arg4[%add3A_273, %dma_start3A_274] : memref<8192x2048xf32, #tpu.memory_space<hbm>> -> memref<1x2048xf32, #tpu.memory_space<hbm>>
      %dma_start3A_276 = tpu.memref_squeeze %dma_start3A_275 : memref<1x2048xf32, #tpu.memory_space<hbm>> -> memref<2048xf32, #tpu.memory_space<hbm>>
      %dma_start3A_277 = arith.constant 0 : i32
      %dma_start3A_278 = tpu.memref_slice %arg6[%squeeze3A_268, %dma_start3A_277] : memref<128x2048xf32, #tpu.memory_space<vmem_shared>> -> memref<1x2048xf32, #tpu.memory_space<vmem_shared>>
      %dma_start3A_279 = tpu.memref_squeeze %dma_start3A_278 : memref<1x2048xf32, #tpu.memory_space<vmem_shared>> -> memref<2048xf32, #tpu.memory_space<vmem_shared>>
      tpu.enqueue_dma source(%dma_start3A_279 : memref<2048xf32, #tpu.memory_space<vmem_shared>>) target(%dma_start3A_276 : memref<2048xf32, #tpu.memory_space<hbm>>) target_semaphore(%arg7 : memref<!tpu.dma_semaphore, #tpu.memory_space<semaphore_mem>>)
      %slice3A_280 = vector.extract_strided_slice %get3A_243 {offsets = [3], sizes = [1], strides = [1]} : vector<16xi32> to vector<1xi32>
      %squeeze3A_281 = vector.extract %slice3A_280[0] : i32 from vector<1xi32>
      %add3A_282 = arith.addi %mul3A_2, %mul3A_239 : i32
      %add3A_283 = arith.constant 0 : i32
      %add3A_284 = arith.addi %add3A_282, %add3A_283 : i32
      %add3A_285 = arith.constant 3 : i32
      %add3A_286 = arith.addi %add3A_284, %add3A_285 : i32
      %dma_start3A_287 = arith.constant 0 : i32
      %dma_start3A_288 = tpu.memref_slice %arg4[%add3A_286, %dma_start3A_287] : memref<8192x2048xf32, #tpu.memory_space<hbm>> -> memref<1x2048xf32, #tpu.memory_space<hbm>>
      %dma_start3A_289 = tpu.memref_squeeze %dma_start3A_288 : memref<1x2048xf32, #tpu.memory_space<hbm>> -> memref<2048xf32, #tpu.memory_space<hbm>>
      %dma_start3A_290 = arith.constant 0 : i32
      %dma_start3A_291 = tpu.memref_slice %arg6[%squeeze3A_281, %dma_start3A_290] : memref<128x2048xf32, #tpu.memory_space<vmem_shared>> -> memref<1x2048xf32, #tpu.memory_space<vmem_shared>>
      %dma_start3A_292 = tpu.memref_squeeze %dma_start3A_291 : memref<1x2048xf32, #tpu.memory_space<vmem_shared>> -> memref<2048xf32, #tpu.memory_space<vmem_shared>>
      tpu.enqueue_dma source(%dma_start3A_292 : memref<2048xf32, #tpu.memory_space<vmem_shared>>) target(%dma_start3A_289 : memref<2048xf32, #tpu.memory_space<hbm>>) target_semaphore(%arg7 : memref<!tpu.dma_semaphore, #tpu.memory_space<semaphore_mem>>)
      %slice3A_293 = vector.extract_strided_slice %get3A_243 {offsets = [4], sizes = [1], strides = [1]} : vector<16xi32> to vector<1xi32>
      %squeeze3A_294 = vector.extract %slice3A_293[0] : i32 from vector<1xi32>
      %add3A_295 = arith.addi %mul3A_2, %mul3A_239 : i32
      %add3A_296 = arith.constant 0 : i32
      %add3A_297 = arith.addi %add3A_295, %add3A_296 : i32
      %add3A_298 = arith.constant 4 : i32
      %add3A_299 = arith.addi %add3A_297, %add3A_298 : i32
      %dma_start3A_300 = arith.constant 0 : i32
      %dma_start3A_301 = tpu.memref_slice %arg4[%add3A_299, %dma_start3A_300] : memref<8192x2048xf32, #tpu.memory_space<hbm>> -> memref<1x2048xf32, #tpu.memory_space<hbm>>
      %dma_start3A_302 = tpu.memref_squeeze %dma_start3A_301 : memref<1x2048xf32, #tpu.memory_space<hbm>> -> memref<2048xf32, #tpu.memory_space<hbm>>
      %dma_start3A_303 = arith.constant 0 : i32
      %dma_start3A_304 = tpu.memref_slice %arg6[%squeeze3A_294, %dma_start3A_303] : memref<128x2048xf32, #tpu.memory_space<vmem_shared>> -> memref<1x2048xf32, #tpu.memory_space<vmem_shared>>
      %dma_start3A_305 = tpu.memref_squeeze %dma_start3A_304 : memref<1x2048xf32, #tpu.memory_space<vmem_shared>> -> memref<2048xf32, #tpu.memory_space<vmem_shared>>
      tpu.enqueue_dma source(%dma_start3A_305 : memref<2048xf32, #tpu.memory_space<vmem_shared>>) target(%dma_start3A_302 : memref<2048xf32, #tpu.memory_space<hbm>>) target_semaphore(%arg7 : memref<!tpu.dma_semaphore, #tpu.memory_space<semaphore_mem>>)
      %slice3A_306 = vector.extract_strided_slice %get3A_243 {offsets = [5], sizes = [1], strides = [1]} : vector<16xi32> to vector<1xi32>
      %squeeze3A_307 = vector.extract %slice3A_306[0] : i32 from vector<1xi32>
      %add3A_308 = arith.addi %mul3A_2, %mul3A_239 : i32
      %add3A_309 = arith.constant 0 : i32
      %add3A_310 = arith.addi %add3A_308, %add3A_309 : i32
      %add3A_311 = arith.constant 5 : i32
      %add3A_312 = arith.addi %add3A_310, %add3A_311 : i32
      %dma_start3A_313 = arith.constant 0 : i32
      %dma_start3A_314 = tpu.memref_slice %arg4[%add3A_312, %dma_start3A_313] : memref<8192x2048xf32, #tpu.memory_space<hbm>> -> memref<1x2048xf32, #tpu.memory_space<hbm>>
      %dma_start3A_315 = tpu.memref_squeeze %dma_start3A_314 : memref<1x2048xf32, #tpu.memory_space<hbm>> -> memref<2048xf32, #tpu.memory_space<hbm>>
      %dma_start3A_316 = arith.constant 0 : i32
      %dma_start3A_317 = tpu.memref_slice %arg6[%squeeze3A_307, %dma_start3A_316] : memref<128x2048xf32, #tpu.memory_space<vmem_shared>> -> memref<1x2048xf32, #tpu.memory_space<vmem_shared>>
      %dma_start3A_318 = tpu.memref_squeeze %dma_start3A_317 : memref<1x2048xf32, #tpu.memory_space<vmem_shared>> -> memref<2048xf32, #tpu.memory_space<vmem_shared>>
      tpu.enqueue_dma source(%dma_start3A_318 : memref<2048xf32, #tpu.memory_space<vmem_shared>>) target(%dma_start3A_315 : memref<2048xf32, #tpu.memory_space<hbm>>) target_semaphore(%arg7 : memref<!tpu.dma_semaphore, #tpu.memory_space<semaphore_mem>>)
      %slice3A_319 = vector.extract_strided_slice %get3A_243 {offsets = [6], sizes = [1], strides = [1]} : vector<16xi32> to vector<1xi32>
      %squeeze3A_320 = vector.extract %slice3A_319[0] : i32 from vector<1xi32>
      %add3A_321 = arith.addi %mul3A_2, %mul3A_239 : i32
      %add3A_322 = arith.constant 0 : i32
      %add3A_323 = arith.addi %add3A_321, %add3A_322 : i32
      %add3A_324 = arith.constant 6 : i32
      %add3A_325 = arith.addi %add3A_323, %add3A_324 : i32
      %dma_start3A_326 = arith.constant 0 : i32
      %dma_start3A_327 = tpu.memref_slice %arg4[%add3A_325, %dma_start3A_326] : memref<8192x2048xf32, #tpu.memory_space<hbm>> -> memref<1x2048xf32, #tpu.memory_space<hbm>>
      %dma_start3A_328 = tpu.memref_squeeze %dma_start3A_327 : memref<1x2048xf32, #tpu.memory_space<hbm>> -> memref<2048xf32, #tpu.memory_space<hbm>>
      %dma_start3A_329 = arith.constant 0 : i32
      %dma_start3A_330 = tpu.memref_slice %arg6[%squeeze3A_320, %dma_start3A_329] : memref<128x2048xf32, #tpu.memory_space<vmem_shared>> -> memref<1x2048xf32, #tpu.memory_space<vmem_shared>>
      %dma_start3A_331 = tpu.memref_squeeze %dma_start3A_330 : memref<1x2048xf32, #tpu.memory_space<vmem_shared>> -> memref<2048xf32, #tpu.memory_space<vmem_shared>>
      tpu.enqueue_dma source(%dma_start3A_331 : memref<2048xf32, #tpu.memory_space<vmem_shared>>) target(%dma_start3A_328 : memref<2048xf32, #tpu.memory_space<hbm>>) target_semaphore(%arg7 : memref<!tpu.dma_semaphore, #tpu.memory_space<semaphore_mem>>)
      %slice3A_332 = vector.extract_strided_slice %get3A_243 {offsets = [7], sizes = [1], strides = [1]} : vector<16xi32> to vector<1xi32>
      %squeeze3A_333 = vector.extract %slice3A_332[0] : i32 from vector<1xi32>
      %add3A_334 = arith.addi %mul3A_2, %mul3A_239 : i32
      %add3A_335 = arith.constant 0 : i32
      %add3A_336 = arith.addi %add3A_334, %add3A_335 : i32
      %add3A_337 = arith.constant 7 : i32
      %add3A_338 = arith.addi %add3A_336, %add3A_337 : i32
      %dma_start3A_339 = arith.constant 0 : i32
      %dma_start3A_340 = tpu.memref_slice %arg4[%add3A_338, %dma_start3A_339] : memref<8192x2048xf32, #tpu.memory_space<hbm>> -> memref<1x2048xf32, #tpu.memory_space<hbm>>
      %dma_start3A_341 = tpu.memref_squeeze %dma_start3A_340 : memref<1x2048xf32, #tpu.memory_space<hbm>> -> memref<2048xf32, #tpu.memory_space<hbm>>
      %dma_start3A_342 = arith.constant 0 : i32
      %dma_start3A_343 = tpu.memref_slice %arg6[%squeeze3A_333, %dma_start3A_342] : memref<128x2048xf32, #tpu.memory_space<vmem_shared>> -> memref<1x2048xf32, #tpu.memory_space<vmem_shared>>
      %dma_start3A_344 = tpu.memref_squeeze %dma_start3A_343 : memref<1x2048xf32, #tpu.memory_space<vmem_shared>> -> memref<2048xf32, #tpu.memory_space<vmem_shared>>
      tpu.enqueue_dma source(%dma_start3A_344 : memref<2048xf32, #tpu.memory_space<vmem_shared>>) target(%dma_start3A_341 : memref<2048xf32, #tpu.memory_space<hbm>>) target_semaphore(%arg7 : memref<!tpu.dma_semaphore, #tpu.memory_space<semaphore_mem>>)
      %slice3A_345 = vector.extract_strided_slice %get3A_243 {offsets = [8], sizes = [1], strides = [1]} : vector<16xi32> to vector<1xi32>
      %squeeze3A_346 = vector.extract %slice3A_345[0] : i32 from vector<1xi32>
      %add3A_347 = arith.addi %mul3A_2, %mul3A_239 : i32
      %add3A_348 = arith.constant 0 : i32
      %add3A_349 = arith.addi %add3A_347, %add3A_348 : i32
      %add3A_350 = arith.constant 8 : i32
      %add3A_351 = arith.addi %add3A_349, %add3A_350 : i32
      %dma_start3A_352 = arith.constant 0 : i32
      %dma_start3A_353 = tpu.memref_slice %arg4[%add3A_351, %dma_start3A_352] : memref<8192x2048xf32, #tpu.memory_space<hbm>> -> memref<1x2048xf32, #tpu.memory_space<hbm>>
      %dma_start3A_354 = tpu.memref_squeeze %dma_start3A_353 : memref<1x2048xf32, #tpu.memory_space<hbm>> -> memref<2048xf32, #tpu.memory_space<hbm>>
      %dma_start3A_355 = arith.constant 0 : i32
      %dma_start3A_356 = tpu.memref_slice %arg6[%squeeze3A_346, %dma_start3A_355] : memref<128x2048xf32, #tpu.memory_space<vmem_shared>> -> memref<1x2048xf32, #tpu.memory_space<vmem_shared>>
      %dma_start3A_357 = tpu.memref_squeeze %dma_start3A_356 : memref<1x2048xf32, #tpu.memory_space<vmem_shared>> -> memref<2048xf32, #tpu.memory_space<vmem_shared>>
      tpu.enqueue_dma source(%dma_start3A_357 : memref<2048xf32, #tpu.memory_space<vmem_shared>>) target(%dma_start3A_354 : memref<2048xf32, #tpu.memory_space<hbm>>) target_semaphore(%arg7 : memref<!tpu.dma_semaphore, #tpu.memory_space<semaphore_mem>>)
      %slice3A_358 = vector.extract_strided_slice %get3A_243 {offsets = [9], sizes = [1], strides = [1]} : vector<16xi32> to vector<1xi32>
      %squeeze3A_359 = vector.extract %slice3A_358[0] : i32 from vector<1xi32>
      %add3A_360 = arith.addi %mul3A_2, %mul3A_239 : i32
      %add3A_361 = arith.constant 0 : i32
      %add3A_362 = arith.addi %add3A_360, %add3A_361 : i32
      %add3A_363 = arith.constant 9 : i32
      %add3A_364 = arith.addi %add3A_362, %add3A_363 : i32
      %dma_start3A_365 = arith.constant 0 : i32
      %dma_start3A_366 = tpu.memref_slice %arg4[%add3A_364, %dma_start3A_365] : memref<8192x2048xf32, #tpu.memory_space<hbm>> -> memref<1x2048xf32, #tpu.memory_space<hbm>>
      %dma_start3A_367 = tpu.memref_squeeze %dma_start3A_366 : memref<1x2048xf32, #tpu.memory_space<hbm>> -> memref<2048xf32, #tpu.memory_space<hbm>>
      %dma_start3A_368 = arith.constant 0 : i32
      %dma_start3A_369 = tpu.memref_slice %arg6[%squeeze3A_359, %dma_start3A_368] : memref<128x2048xf32, #tpu.memory_space<vmem_shared>> -> memref<1x2048xf32, #tpu.memory_space<vmem_shared>>
      %dma_start3A_370 = tpu.memref_squeeze %dma_start3A_369 : memref<1x2048xf32, #tpu.memory_space<vmem_shared>> -> memref<2048xf32, #tpu.memory_space<vmem_shared>>
      tpu.enqueue_dma source(%dma_start3A_370 : memref<2048xf32, #tpu.memory_space<vmem_shared>>) target(%dma_start3A_367 : memref<2048xf32, #tpu.memory_space<hbm>>) target_semaphore(%arg7 : memref<!tpu.dma_semaphore, #tpu.memory_space<semaphore_mem>>)
      %slice3A_371 = vector.extract_strided_slice %get3A_243 {offsets = [10], sizes = [1], strides = [1]} : vector<16xi32> to vector<1xi32>
      %squeeze3A_372 = vector.extract %slice3A_371[0] : i32 from vector<1xi32>
      %add3A_373 = arith.addi %mul3A_2, %mul3A_239 : i32
      %add3A_374 = arith.constant 0 : i32
      %add3A_375 = arith.addi %add3A_373, %add3A_374 : i32
      %add3A_376 = arith.constant 10 : i32
      %add3A_377 = arith.addi %add3A_375, %add3A_376 : i32
      %dma_start3A_378 = arith.constant 0 : i32
      %dma_start3A_379 = tpu.memref_slice %arg4[%add3A_377, %dma_start3A_378] : memref<8192x2048xf32, #tpu.memory_space<hbm>> -> memref<1x2048xf32, #tpu.memory_space<hbm>>
      %dma_start3A_380 = tpu.memref_squeeze %dma_start3A_379 : memref<1x2048xf32, #tpu.memory_space<hbm>> -> memref<2048xf32, #tpu.memory_space<hbm>>
      %dma_start3A_381 = arith.constant 0 : i32
      %dma_start3A_382 = tpu.memref_slice %arg6[%squeeze3A_372, %dma_start3A_381] : memref<128x2048xf32, #tpu.memory_space<vmem_shared>> -> memref<1x2048xf32, #tpu.memory_space<vmem_shared>>
      %dma_start3A_383 = tpu.memref_squeeze %dma_start3A_382 : memref<1x2048xf32, #tpu.memory_space<vmem_shared>> -> memref<2048xf32, #tpu.memory_space<vmem_shared>>
      tpu.enqueue_dma source(%dma_start3A_383 : memref<2048xf32, #tpu.memory_space<vmem_shared>>) target(%dma_start3A_380 : memref<2048xf32, #tpu.memory_space<hbm>>) target_semaphore(%arg7 : memref<!tpu.dma_semaphore, #tpu.memory_space<semaphore_mem>>)
      %slice3A_384 = vector.extract_strided_slice %get3A_243 {offsets = [11], sizes = [1], strides = [1]} : vector<16xi32> to vector<1xi32>
      %squeeze3A_385 = vector.extract %slice3A_384[0] : i32 from vector<1xi32>
      %add3A_386 = arith.addi %mul3A_2, %mul3A_239 : i32
      %add3A_387 = arith.constant 0 : i32
      %add3A_388 = arith.addi %add3A_386, %add3A_387 : i32
      %add3A_389 = arith.constant 11 : i32
      %add3A_390 = arith.addi %add3A_388, %add3A_389 : i32
      %dma_start3A_391 = arith.constant 0 : i32
      %dma_start3A_392 = tpu.memref_slice %arg4[%add3A_390, %dma_start3A_391] : memref<8192x2048xf32, #tpu.memory_space<hbm>> -> memref<1x2048xf32, #tpu.memory_space<hbm>>
      %dma_start3A_393 = tpu.memref_squeeze %dma_start3A_392 : memref<1x2048xf32, #tpu.memory_space<hbm>> -> memref<2048xf32, #tpu.memory_space<hbm>>
      %dma_start3A_394 = arith.constant 0 : i32
      %dma_start3A_395 = tpu.memref_slice %arg6[%squeeze3A_385, %dma_start3A_394] : memref<128x2048xf32, #tpu.memory_space<vmem_shared>> -> memref<1x2048xf32, #tpu.memory_space<vmem_shared>>
      %dma_start3A_396 = tpu.memref_squeeze %dma_start3A_395 : memref<1x2048xf32, #tpu.memory_space<vmem_shared>> -> memref<2048xf32, #tpu.memory_space<vmem_shared>>
      tpu.enqueue_dma source(%dma_start3A_396 : memref<2048xf32, #tpu.memory_space<vmem_shared>>) target(%dma_start3A_393 : memref<2048xf32, #tpu.memory_space<hbm>>) target_semaphore(%arg7 : memref<!tpu.dma_semaphore, #tpu.memory_space<semaphore_mem>>)
      %slice3A_397 = vector.extract_strided_slice %get3A_243 {offsets = [12], sizes = [1], strides = [1]} : vector<16xi32> to vector<1xi32>
      %squeeze3A_398 = vector.extract %slice3A_397[0] : i32 from vector<1xi32>
      %add3A_399 = arith.addi %mul3A_2, %mul3A_239 : i32
      %add3A_400 = arith.constant 0 : i32
      %add3A_401 = arith.addi %add3A_399, %add3A_400 : i32
      %add3A_402 = arith.constant 12 : i32
      %add3A_403 = arith.addi %add3A_401, %add3A_402 : i32
      %dma_start3A_404 = arith.constant 0 : i32
      %dma_start3A_405 = tpu.memref_slice %arg4[%add3A_403, %dma_start3A_404] : memref<8192x2048xf32, #tpu.memory_space<hbm>> -> memref<1x2048xf32, #tpu.memory_space<hbm>>
      %dma_start3A_406 = tpu.memref_squeeze %dma_start3A_405 : memref<1x2048xf32, #tpu.memory_space<hbm>> -> memref<2048xf32, #tpu.memory_space<hbm>>
      %dma_start3A_407 = arith.constant 0 : i32
      %dma_start3A_408 = tpu.memref_slice %arg6[%squeeze3A_398, %dma_start3A_407] : memref<128x2048xf32, #tpu.memory_space<vmem_shared>> -> memref<1x2048xf32, #tpu.memory_space<vmem_shared>>
      %dma_start3A_409 = tpu.memref_squeeze %dma_start3A_408 : memref<1x2048xf32, #tpu.memory_space<vmem_shared>> -> memref<2048xf32, #tpu.memory_space<vmem_shared>>
      tpu.enqueue_dma source(%dma_start3A_409 : memref<2048xf32, #tpu.memory_space<vmem_shared>>) target(%dma_start3A_406 : memref<2048xf32, #tpu.memory_space<hbm>>) target_semaphore(%arg7 : memref<!tpu.dma_semaphore, #tpu.memory_space<semaphore_mem>>)
      %slice3A_410 = vector.extract_strided_slice %get3A_243 {offsets = [13], sizes = [1], strides = [1]} : vector<16xi32> to vector<1xi32>
      %squeeze3A_411 = vector.extract %slice3A_410[0] : i32 from vector<1xi32>
      %add3A_412 = arith.addi %mul3A_2, %mul3A_239 : i32
      %add3A_413 = arith.constant 0 : i32
      %add3A_414 = arith.addi %add3A_412, %add3A_413 : i32
      %add3A_415 = arith.constant 13 : i32
      %add3A_416 = arith.addi %add3A_414, %add3A_415 : i32
      %dma_start3A_417 = arith.constant 0 : i32
      %dma_start3A_418 = tpu.memref_slice %arg4[%add3A_416, %dma_start3A_417] : memref<8192x2048xf32, #tpu.memory_space<hbm>> -> memref<1x2048xf32, #tpu.memory_space<hbm>>
      %dma_start3A_419 = tpu.memref_squeeze %dma_start3A_418 : memref<1x2048xf32, #tpu.memory_space<hbm>> -> memref<2048xf32, #tpu.memory_space<hbm>>
      %dma_start3A_420 = arith.constant 0 : i32
      %dma_start3A_421 = tpu.memref_slice %arg6[%squeeze3A_411, %dma_start3A_420] : memref<128x2048xf32, #tpu.memory_space<vmem_shared>> -> memref<1x2048xf32, #tpu.memory_space<vmem_shared>>
      %dma_start3A_422 = tpu.memref_squeeze %dma_start3A_421 : memref<1x2048xf32, #tpu.memory_space<vmem_shared>> -> memref<2048xf32, #tpu.memory_space<vmem_shared>>
      tpu.enqueue_dma source(%dma_start3A_422 : memref<2048xf32, #tpu.memory_space<vmem_shared>>) target(%dma_start3A_419 : memref<2048xf32, #tpu.memory_space<hbm>>) target_semaphore(%arg7 : memref<!tpu.dma_semaphore, #tpu.memory_space<semaphore_mem>>)
      %slice3A_423 = vector.extract_strided_slice %get3A_243 {offsets = [14], sizes = [1], strides = [1]} : vector<16xi32> to vector<1xi32>
      %squeeze3A_424 = vector.extract %slice3A_423[0] : i32 from vector<1xi32>
      %add3A_425 = arith.addi %mul3A_2, %mul3A_239 : i32
      %add3A_426 = arith.constant 0 : i32
      %add3A_427 = arith.addi %add3A_425, %add3A_426 : i32
      %add3A_428 = arith.constant 14 : i32
      %add3A_429 = arith.addi %add3A_427, %add3A_428 : i32
      %dma_start3A_430 = arith.constant 0 : i32
      %dma_start3A_431 = tpu.memref_slice %arg4[%add3A_429, %dma_start3A_430] : memref<8192x2048xf32, #tpu.memory_space<hbm>> -> memref<1x2048xf32, #tpu.memory_space<hbm>>
      %dma_start3A_432 = tpu.memref_squeeze %dma_start3A_431 : memref<1x2048xf32, #tpu.memory_space<hbm>> -> memref<2048xf32, #tpu.memory_space<hbm>>
      %dma_start3A_433 = arith.constant 0 : i32
      %dma_start3A_434 = tpu.memref_slice %arg6[%squeeze3A_424, %dma_start3A_433] : memref<128x2048xf32, #tpu.memory_space<vmem_shared>> -> memref<1x2048xf32, #tpu.memory_space<vmem_shared>>
      %dma_start3A_435 = tpu.memref_squeeze %dma_start3A_434 : memref<1x2048xf32, #tpu.memory_space<vmem_shared>> -> memref<2048xf32, #tpu.memory_space<vmem_shared>>
      tpu.enqueue_dma source(%dma_start3A_435 : memref<2048xf32, #tpu.memory_space<vmem_shared>>) target(%dma_start3A_432 : memref<2048xf32, #tpu.memory_space<hbm>>) target_semaphore(%arg7 : memref<!tpu.dma_semaphore, #tpu.memory_space<semaphore_mem>>)
      %slice3A_436 = vector.extract_strided_slice %get3A_243 {offsets = [15], sizes = [1], strides = [1]} : vector<16xi32> to vector<1xi32>
      %squeeze3A_437 = vector.extract %slice3A_436[0] : i32 from vector<1xi32>
      %add3A_438 = arith.addi %mul3A_2, %mul3A_239 : i32
      %add3A_439 = arith.constant 0 : i32
      %add3A_440 = arith.addi %add3A_438, %add3A_439 : i32
      %add3A_441 = arith.constant 15 : i32
      %add3A_442 = arith.addi %add3A_440, %add3A_441 : i32
      %dma_start3A_443 = arith.constant 0 : i32
      %dma_start3A_444 = tpu.memref_slice %arg4[%add3A_442, %dma_start3A_443] : memref<8192x2048xf32, #tpu.memory_space<hbm>> -> memref<1x2048xf32, #tpu.memory_space<hbm>>
      %dma_start3A_445 = tpu.memref_squeeze %dma_start3A_444 : memref<1x2048xf32, #tpu.memory_space<hbm>> -> memref<2048xf32, #tpu.memory_space<hbm>>
      %dma_start3A_446 = arith.constant 0 : i32
      %dma_start3A_447 = tpu.memref_slice %arg6[%squeeze3A_437, %dma_start3A_446] : memref<128x2048xf32, #tpu.memory_space<vmem_shared>> -> memref<1x2048xf32, #tpu.memory_space<vmem_shared>>
      %dma_start3A_448 = tpu.memref_squeeze %dma_start3A_447 : memref<1x2048xf32, #tpu.memory_space<vmem_shared>> -> memref<2048xf32, #tpu.memory_space<vmem_shared>>
      tpu.enqueue_dma source(%dma_start3A_448 : memref<2048xf32, #tpu.memory_space<vmem_shared>>) target(%dma_start3A_445 : memref<2048xf32, #tpu.memory_space<hbm>>) target_semaphore(%arg7 : memref<!tpu.dma_semaphore, #tpu.memory_space<semaphore_mem>>)
      %add3A_449 = arith.constant 16 : i32
      %add3A_450 = arith.addi %mul3A_239, %add3A_449 : i32
      %get3A_451 = arith.index_cast %add3A_450 : i32 to index
      %get3A_452 = tpu.vector_load %arg5[%get3A_451] {strides = array<i32>} : memref<272xi32, #tpu.memory_space<vmem>>, vector<16xi32>,
      %get3A_453 = vector.shape_cast %get3A_452 : vector<16xi32> to vector<16xi32>
      %slice3A_454 = vector.extract_strided_slice %get3A_453 {offsets = [0], sizes = [1], strides = [1]} : vector<16xi32> to vector<1xi32>
      %squeeze3A_455 = vector.extract %slice3A_454[0] : i32 from vector<1xi32>
      %add3A_456 = arith.addi %mul3A_2, %mul3A_239 : i32
      %add3A_457 = arith.constant 16 : i32
      %add3A_458 = arith.addi %add3A_456, %add3A_457 : i32
      %add3A_459 = arith.constant 0 : i32
      %add3A_460 = arith.addi %add3A_458, %add3A_459 : i32
      %dma_start3A_461 = arith.constant 0 : i32
      %dma_start3A_462 = tpu.memref_slice %arg4[%add3A_460, %dma_start3A_461] : memref<8192x2048xf32, #tpu.memory_space<hbm>> -> memref<1x2048xf32, #tpu.memory_space<hbm>>
      %dma_start3A_463 = tpu.memref_squeeze %dma_start3A_462 : memref<1x2048xf32, #tpu.memory_space<hbm>> -> memref<2048xf32, #tpu.memory_space<hbm>>
      %dma_start3A_464 = arith.constant 0 : i32
      %dma_start3A_465 = tpu.memref_slice %arg6[%squeeze3A_455, %dma_start3A_464] : memref<128x2048xf32, #tpu.memory_space<vmem_shared>> -> memref<1x2048xf32, #tpu.memory_space<vmem_shared>>
      %dma_start3A_466 = tpu.memref_squeeze %dma_start3A_465 : memref<1x2048xf32, #tpu.memory_space<vmem_shared>> -> memref<2048xf32, #tpu.memory_space<vmem_shared>>
      tpu.enqueue_dma source(%dma_start3A_466 : memref<2048xf32, #tpu.memory_space<vmem_shared>>) target(%dma_start3A_463 : memref<2048xf32, #tpu.memory_space<hbm>>) target_semaphore(%arg7 : memref<!tpu.dma_semaphore, #tpu.memory_space<semaphore_mem>>)
      %slice3A_467 = vector.extract_strided_slice %get3A_453 {offsets = [1], sizes = [1], strides = [1]} : vector<16xi32> to vector<1xi32>
      %squeeze3A_468 = vector.extract %slice3A_467[0] : i32 from vector<1xi32>
      %add3A_469 = arith.addi %mul3A_2, %mul3A_239 : i32
      %add3A_470 = arith.constant 16 : i32
      %add3A_471 = arith.addi %add3A_469, %add3A_470 : i32
      %add3A_472 = arith.constant 1 : i32
      %add3A_473 = arith.addi %add3A_471, %add3A_472 : i32
      %dma_start3A_474 = arith.constant 0 : i32
      %dma_start3A_475 = tpu.memref_slice %arg4[%add3A_473, %dma_start3A_474] : memref<8192x2048xf32, #tpu.memory_space<hbm>> -> memref<1x2048xf32, #tpu.memory_space<hbm>>
      %dma_start3A_476 = tpu.memref_squeeze %dma_start3A_475 : memref<1x2048xf32, #tpu.memory_space<hbm>> -> memref<2048xf32, #tpu.memory_space<hbm>>
      %dma_start3A_477 = arith.constant 0 : i32
      %dma_start3A_478 = tpu.memref_slice %arg6[%squeeze3A_468, %dma_start3A_477] : memref<128x2048xf32, #tpu.memory_space<vmem_shared>> -> memref<1x2048xf32, #tpu.memory_space<vmem_shared>>
      %dma_start3A_479 = tpu.memref_squeeze %dma_start3A_478 : memref<1x2048xf32, #tpu.memory_space<vmem_shared>> -> memref<2048xf32, #tpu.memory_space<vmem_shared>>
      tpu.enqueue_dma source(%dma_start3A_479 : memref<2048xf32, #tpu.memory_space<vmem_shared>>) target(%dma_start3A_476 : memref<2048xf32, #tpu.memory_space<hbm>>) target_semaphore(%arg7 : memref<!tpu.dma_semaphore, #tpu.memory_space<semaphore_mem>>)
      %slice3A_480 = vector.extract_strided_slice %get3A_453 {offsets = [2], sizes = [1], strides = [1]} : vector<16xi32> to vector<1xi32>
      %squeeze3A_481 = vector.extract %slice3A_480[0] : i32 from vector<1xi32>
      %add3A_482 = arith.addi %mul3A_2, %mul3A_239 : i32
      %add3A_483 = arith.constant 16 : i32
      %add3A_484 = arith.addi %add3A_482, %add3A_483 : i32
      %add3A_485 = arith.constant 2 : i32
      %add3A_486 = arith.addi %add3A_484, %add3A_485 : i32
      %dma_start3A_487 = arith.constant 0 : i32
      %dma_start3A_488 = tpu.memref_slice %arg4[%add3A_486, %dma_start3A_487] : memref<8192x2048xf32, #tpu.memory_space<hbm>> -> memref<1x2048xf32, #tpu.memory_space<hbm>>
      %dma_start3A_489 = tpu.memref_squeeze %dma_start3A_488 : memref<1x2048xf32, #tpu.memory_space<hbm>> -> memref<2048xf32, #tpu.memory_space<hbm>>
      %dma_start3A_490 = arith.constant 0 : i32
      %dma_start3A_491 = tpu.memref_slice %arg6[%squeeze3A_481, %dma_start3A_490] : memref<128x2048xf32, #tpu.memory_space<vmem_shared>> -> memref<1x2048xf32, #tpu.memory_space<vmem_shared>>
      %dma_start3A_492 = tpu.memref_squeeze %dma_start3A_491 : memref<1x2048xf32, #tpu.memory_space<vmem_shared>> -> memref<2048xf32, #tpu.memory_space<vmem_shared>>
      tpu.enqueue_dma source(%dma_start3A_492 : memref<2048xf32, #tpu.memory_space<vmem_shared>>) target(%dma_start3A_489 : memref<2048xf32, #tpu.memory_space<hbm>>) target_semaphore(%arg7 : memref<!tpu.dma_semaphore, #tpu.memory_space<semaphore_mem>>)
      %slice3A_493 = vector.extract_strided_slice %get3A_453 {offsets = [3], sizes = [1], strides = [1]} : vector<16xi32> to vector<1xi32>
      %squeeze3A_494 = vector.extract %slice3A_493[0] : i32 from vector<1xi32>
      %add3A_495 = arith.addi %mul3A_2, %mul3A_239 : i32
      %add3A_496 = arith.constant 16 : i32
      %add3A_497 = arith.addi %add3A_495, %add3A_496 : i32
      %add3A_498 = arith.constant 3 : i32
      %add3A_499 = arith.addi %add3A_497, %add3A_498 : i32
      %dma_start3A_500 = arith.constant 0 : i32
      %dma_start3A_501 = tpu.memref_slice %arg4[%add3A_499, %dma_start3A_500] : memref<8192x2048xf32, #tpu.memory_space<hbm>> -> memref<1x2048xf32, #tpu.memory_space<hbm>>
      %dma_start3A_502 = tpu.memref_squeeze %dma_start3A_501 : memref<1x2048xf32, #tpu.memory_space<hbm>> -> memref<2048xf32, #tpu.memory_space<hbm>>
      %dma_start3A_503 = arith.constant 0 : i32
      %dma_start3A_504 = tpu.memref_slice %arg6[%squeeze3A_494, %dma_start3A_503] : memref<128x2048xf32, #tpu.memory_space<vmem_shared>> -> memref<1x2048xf32, #tpu.memory_space<vmem_shared>>
      %dma_start3A_505 = tpu.memref_squeeze %dma_start3A_504 : memref<1x2048xf32, #tpu.memory_space<vmem_shared>> -> memref<2048xf32, #tpu.memory_space<vmem_shared>>
      tpu.enqueue_dma source(%dma_start3A_505 : memref<2048xf32, #tpu.memory_space<vmem_shared>>) target(%dma_start3A_502 : memref<2048xf32, #tpu.memory_space<hbm>>) target_semaphore(%arg7 : memref<!tpu.dma_semaphore, #tpu.memory_space<semaphore_mem>>)
      %slice3A_506 = vector.extract_strided_slice %get3A_453 {offsets = [4], sizes = [1], strides = [1]} : vector<16xi32> to vector<1xi32>
      %squeeze3A_507 = vector.extract %slice3A_506[0] : i32 from vector<1xi32>
      %add3A_508 = arith.addi %mul3A_2, %mul3A_239 : i32
      %add3A_509 = arith.constant 16 : i32
      %add3A_510 = arith.addi %add3A_508, %add3A_509 : i32
      %add3A_511 = arith.constant 4 : i32
      %add3A_512 = arith.addi %add3A_510, %add3A_511 : i32
      %dma_start3A_513 = arith.constant 0 : i32
      %dma_start3A_514 = tpu.memref_slice %arg4[%add3A_512, %dma_start3A_513] : memref<8192x2048xf32, #tpu.memory_space<hbm>> -> memref<1x2048xf32, #tpu.memory_space<hbm>>
      %dma_start3A_515 = tpu.memref_squeeze %dma_start3A_514 : memref<1x2048xf32, #tpu.memory_space<hbm>> -> memref<2048xf32, #tpu.memory_space<hbm>>
      %dma_start3A_516 = arith.constant 0 : i32
      %dma_start3A_517 = tpu.memref_slice %arg6[%squeeze3A_507, %dma_start3A_516] : memref<128x2048xf32, #tpu.memory_space<vmem_shared>> -> memref<1x2048xf32, #tpu.memory_space<vmem_shared>>
      %dma_start3A_518 = tpu.memref_squeeze %dma_start3A_517 : memref<1x2048xf32, #tpu.memory_space<vmem_shared>> -> memref<2048xf32, #tpu.memory_space<vmem_shared>>
      tpu.enqueue_dma source(%dma_start3A_518 : memref<2048xf32, #tpu.memory_space<vmem_shared>>) target(%dma_start3A_515 : memref<2048xf32, #tpu.memory_space<hbm>>) target_semaphore(%arg7 : memref<!tpu.dma_semaphore, #tpu.memory_space<semaphore_mem>>)
      %slice3A_519 = vector.extract_strided_slice %get3A_453 {offsets = [5], sizes = [1], strides = [1]} : vector<16xi32> to vector<1xi32>
      %squeeze3A_520 = vector.extract %slice3A_519[0] : i32 from vector<1xi32>
      %add3A_521 = arith.addi %mul3A_2, %mul3A_239 : i32
      %add3A_522 = arith.constant 16 : i32
      %add3A_523 = arith.addi %add3A_521, %add3A_522 : i32
      %add3A_524 = arith.constant 5 : i32
      %add3A_525 = arith.addi %add3A_523, %add3A_524 : i32
      %dma_start3A_526 = arith.constant 0 : i32
      %dma_start3A_527 = tpu.memref_slice %arg4[%add3A_525, %dma_start3A_526] : memref<8192x2048xf32, #tpu.memory_space<hbm>> -> memref<1x2048xf32, #tpu.memory_space<hbm>>
      %dma_start3A_528 = tpu.memref_squeeze %dma_start3A_527 : memref<1x2048xf32, #tpu.memory_space<hbm>> -> memref<2048xf32, #tpu.memory_space<hbm>>
      %dma_start3A_529 = arith.constant 0 : i32
      %dma_start3A_530 = tpu.memref_slice %arg6[%squeeze3A_520, %dma_start3A_529] : memref<128x2048xf32, #tpu.memory_space<vmem_shared>> -> memref<1x2048xf32, #tpu.memory_space<vmem_shared>>
      %dma_start3A_531 = tpu.memref_squeeze %dma_start3A_530 : memref<1x2048xf32, #tpu.memory_space<vmem_shared>> -> memref<2048xf32, #tpu.memory_space<vmem_shared>>
      tpu.enqueue_dma source(%dma_start3A_531 : memref<2048xf32, #tpu.memory_space<vmem_shared>>) target(%dma_start3A_528 : memref<2048xf32, #tpu.memory_space<hbm>>) target_semaphore(%arg7 : memref<!tpu.dma_semaphore, #tpu.memory_space<semaphore_mem>>)
      %slice3A_532 = vector.extract_strided_slice %get3A_453 {offsets = [6], sizes = [1], strides = [1]} : vector<16xi32> to vector<1xi32>
      %squeeze3A_533 = vector.extract %slice3A_532[0] : i32 from vector<1xi32>
      %add3A_534 = arith.addi %mul3A_2, %mul3A_239 : i32
      %add3A_535 = arith.constant 16 : i32
      %add3A_536 = arith.addi %add3A_534, %add3A_535 : i32
      %add3A_537 = arith.constant 6 : i32
      %add3A_538 = arith.addi %add3A_536, %add3A_537 : i32
      %dma_start3A_539 = arith.constant 0 : i32
      %dma_start3A_540 = tpu.memref_slice %arg4[%add3A_538, %dma_start3A_539] : memref<8192x2048xf32, #tpu.memory_space<hbm>> -> memref<1x2048xf32, #tpu.memory_space<hbm>>
      %dma_start3A_541 = tpu.memref_squeeze %dma_start3A_540 : memref<1x2048xf32, #tpu.memory_space<hbm>> -> memref<2048xf32, #tpu.memory_space<hbm>>
      %dma_start3A_542 = arith.constant 0 : i32
      %dma_start3A_543 = tpu.memref_slice %arg6[%squeeze3A_533, %dma_start3A_542] : memref<128x2048xf32, #tpu.memory_space<vmem_shared>> -> memref<1x2048xf32, #tpu.memory_space<vmem_shared>>
      %dma_start3A_544 = tpu.memref_squeeze %dma_start3A_543 : memref<1x2048xf32, #tpu.memory_space<vmem_shared>> -> memref<2048xf32, #tpu.memory_space<vmem_shared>>
      tpu.enqueue_dma source(%dma_start3A_544 : memref<2048xf32, #tpu.memory_space<vmem_shared>>) target(%dma_start3A_541 : memref<2048xf32, #tpu.memory_space<hbm>>) target_semaphore(%arg7 : memref<!tpu.dma_semaphore, #tpu.memory_space<semaphore_mem>>)
      %slice3A_545 = vector.extract_strided_slice %get3A_453 {offsets = [7], sizes = [1], strides = [1]} : vector<16xi32> to vector<1xi32>
      %squeeze3A_546 = vector.extract %slice3A_545[0] : i32 from vector<1xi32>
      %add3A_547 = arith.addi %mul3A_2, %mul3A_239 : i32
      %add3A_548 = arith.constant 16 : i32
      %add3A_549 = arith.addi %add3A_547, %add3A_548 : i32
      %add3A_550 = arith.constant 7 : i32
      %add3A_551 = arith.addi %add3A_549, %add3A_550 : i32
      %dma_start3A_552 = arith.constant 0 : i32
      %dma_start3A_553 = tpu.memref_slice %arg4[%add3A_551, %dma_start3A_552] : memref<8192x2048xf32, #tpu.memory_space<hbm>> -> memref<1x2048xf32, #tpu.memory_space<hbm>>
      %dma_start3A_554 = tpu.memref_squeeze %dma_start3A_553 : memref<1x2048xf32, #tpu.memory_space<hbm>> -> memref<2048xf32, #tpu.memory_space<hbm>>
      %dma_start3A_555 = arith.constant 0 : i32
      %dma_start3A_556 = tpu.memref_slice %arg6[%squeeze3A_546, %dma_start3A_555] : memref<128x2048xf32, #tpu.memory_space<vmem_shared>> -> memref<1x2048xf32, #tpu.memory_space<vmem_shared>>
      %dma_start3A_557 = tpu.memref_squeeze %dma_start3A_556 : memref<1x2048xf32, #tpu.memory_space<vmem_shared>> -> memref<2048xf32, #tpu.memory_space<vmem_shared>>
      tpu.enqueue_dma source(%dma_start3A_557 : memref<2048xf32, #tpu.memory_space<vmem_shared>>) target(%dma_start3A_554 : memref<2048xf32, #tpu.memory_space<hbm>>) target_semaphore(%arg7 : memref<!tpu.dma_semaphore, #tpu.memory_space<semaphore_mem>>)
      %slice3A_558 = vector.extract_strided_slice %get3A_453 {offsets = [8], sizes = [1], strides = [1]} : vector<16xi32> to vector<1xi32>
      %squeeze3A_559 = vector.extract %slice3A_558[0] : i32 from vector<1xi32>
      %add3A_560 = arith.addi %mul3A_2, %mul3A_239 : i32
      %add3A_561 = arith.constant 16 : i32
      %add3A_562 = arith.addi %add3A_560, %add3A_561 : i32
      %add3A_563 = arith.constant 8 : i32
      %add3A_564 = arith.addi %add3A_562, %add3A_563 : i32
      %dma_start3A_565 = arith.constant 0 : i32
      %dma_start3A_566 = tpu.memref_slice %arg4[%add3A_564, %dma_start3A_565] : memref<8192x2048xf32, #tpu.memory_space<hbm>> -> memref<1x2048xf32, #tpu.memory_space<hbm>>
      %dma_start3A_567 = tpu.memref_squeeze %dma_start3A_566 : memref<1x2048xf32, #tpu.memory_space<hbm>> -> memref<2048xf32, #tpu.memory_space<hbm>>
      %dma_start3A_568 = arith.constant 0 : i32
      %dma_start3A_569 = tpu.memref_slice %arg6[%squeeze3A_559, %dma_start3A_568] : memref<128x2048xf32, #tpu.memory_space<vmem_shared>> -> memref<1x2048xf32, #tpu.memory_space<vmem_shared>>
      %dma_start3A_570 = tpu.memref_squeeze %dma_start3A_569 : memref<1x2048xf32, #tpu.memory_space<vmem_shared>> -> memref<2048xf32, #tpu.memory_space<vmem_shared>>
      tpu.enqueue_dma source(%dma_start3A_570 : memref<2048xf32, #tpu.memory_space<vmem_shared>>) target(%dma_start3A_567 : memref<2048xf32, #tpu.memory_space<hbm>>) target_semaphore(%arg7 : memref<!tpu.dma_semaphore, #tpu.memory_space<semaphore_mem>>)
      %slice3A_571 = vector.extract_strided_slice %get3A_453 {offsets = [9], sizes = [1], strides = [1]} : vector<16xi32> to vector<1xi32>
      %squeeze3A_572 = vector.extract %slice3A_571[0] : i32 from vector<1xi32>
      %add3A_573 = arith.addi %mul3A_2, %mul3A_239 : i32
      %add3A_574 = arith.constant 16 : i32
      %add3A_575 = arith.addi %add3A_573, %add3A_574 : i32
      %add3A_576 = arith.constant 9 : i32
      %add3A_577 = arith.addi %add3A_575, %add3A_576 : i32
      %dma_start3A_578 = arith.constant 0 : i32
      %dma_start3A_579 = tpu.memref_slice %arg4[%add3A_577, %dma_start3A_578] : memref<8192x2048xf32, #tpu.memory_space<hbm>> -> memref<1x2048xf32, #tpu.memory_space<hbm>>
      %dma_start3A_580 = tpu.memref_squeeze %dma_start3A_579 : memref<1x2048xf32, #tpu.memory_space<hbm>> -> memref<2048xf32, #tpu.memory_space<hbm>>
      %dma_start3A_581 = arith.constant 0 : i32
      %dma_start3A_582 = tpu.memref_slice %arg6[%squeeze3A_572, %dma_start3A_581] : memref<128x2048xf32, #tpu.memory_space<vmem_shared>> -> memref<1x2048xf32, #tpu.memory_space<vmem_shared>>
      %dma_start3A_583 = tpu.memref_squeeze %dma_start3A_582 : memref<1x2048xf32, #tpu.memory_space<vmem_shared>> -> memref<2048xf32, #tpu.memory_space<vmem_shared>>
      tpu.enqueue_dma source(%dma_start3A_583 : memref<2048xf32, #tpu.memory_space<vmem_shared>>) target(%dma_start3A_580 : memref<2048xf32, #tpu.memory_space<hbm>>) target_semaphore(%arg7 : memref<!tpu.dma_semaphore, #tpu.memory_space<semaphore_mem>>)
      %slice3A_584 = vector.extract_strided_slice %get3A_453 {offsets = [10], sizes = [1], strides = [1]} : vector<16xi32> to vector<1xi32>
      %squeeze3A_585 = vector.extract %slice3A_584[0] : i32 from vector<1xi32>
      %add3A_586 = arith.addi %mul3A_2, %mul3A_239 : i32
      %add3A_587 = arith.constant 16 : i32
      %add3A_588 = arith.addi %add3A_586, %add3A_587 : i32
      %add3A_589 = arith.constant 10 : i32
      %add3A_590 = arith.addi %add3A_588, %add3A_589 : i32
      %dma_start3A_591 = arith.constant 0 : i32
      %dma_start3A_592 = tpu.memref_slice %arg4[%add3A_590, %dma_start3A_591] : memref<8192x2048xf32, #tpu.memory_space<hbm>> -> memref<1x2048xf32, #tpu.memory_space<hbm>>
      %dma_start3A_593 = tpu.memref_squeeze %dma_start3A_592 : memref<1x2048xf32, #tpu.memory_space<hbm>> -> memref<2048xf32, #tpu.memory_space<hbm>>
      %dma_start3A_594 = arith.constant 0 : i32
      %dma_start3A_595 = tpu.memref_slice %arg6[%squeeze3A_585, %dma_start3A_594] : memref<128x2048xf32, #tpu.memory_space<vmem_shared>> -> memref<1x2048xf32, #tpu.memory_space<vmem_shared>>
      %dma_start3A_596 = tpu.memref_squeeze %dma_start3A_595 : memref<1x2048xf32, #tpu.memory_space<vmem_shared>> -> memref<2048xf32, #tpu.memory_space<vmem_shared>>
      tpu.enqueue_dma source(%dma_start3A_596 : memref<2048xf32, #tpu.memory_space<vmem_shared>>) target(%dma_start3A_593 : memref<2048xf32, #tpu.memory_space<hbm>>) target_semaphore(%arg7 : memref<!tpu.dma_semaphore, #tpu.memory_space<semaphore_mem>>)
      %slice3A_597 = vector.extract_strided_slice %get3A_453 {offsets = [11], sizes = [1], strides = [1]} : vector<16xi32> to vector<1xi32>
      %squeeze3A_598 = vector.extract %slice3A_597[0] : i32 from vector<1xi32>
      %add3A_599 = arith.addi %mul3A_2, %mul3A_239 : i32
      %add3A_600 = arith.constant 16 : i32
      %add3A_601 = arith.addi %add3A_599, %add3A_600 : i32
      %add3A_602 = arith.constant 11 : i32
      %add3A_603 = arith.addi %add3A_601, %add3A_602 : i32
      %dma_start3A_604 = arith.constant 0 : i32
      %dma_start3A_605 = tpu.memref_slice %arg4[%add3A_603, %dma_start3A_604] : memref<8192x2048xf32, #tpu.memory_space<hbm>> -> memref<1x2048xf32, #tpu.memory_space<hbm>>
      %dma_start3A_606 = tpu.memref_squeeze %dma_start3A_605 : memref<1x2048xf32, #tpu.memory_space<hbm>> -> memref<2048xf32, #tpu.memory_space<hbm>>
      %dma_start3A_607 = arith.constant 0 : i32
      %dma_start3A_608 = tpu.memref_slice %arg6[%squeeze3A_598, %dma_start3A_607] : memref<128x2048xf32, #tpu.memory_space<vmem_shared>> -> memref<1x2048xf32, #tpu.memory_space<vmem_shared>>
      %dma_start3A_609 = tpu.memref_squeeze %dma_start3A_608 : memref<1x2048xf32, #tpu.memory_space<vmem_shared>> -> memref<2048xf32, #tpu.memory_space<vmem_shared>>
      tpu.enqueue_dma source(%dma_start3A_609 : memref<2048xf32, #tpu.memory_space<vmem_shared>>) target(%dma_start3A_606 : memref<2048xf32, #tpu.memory_space<hbm>>) target_semaphore(%arg7 : memref<!tpu.dma_semaphore, #tpu.memory_space<semaphore_mem>>)
      %slice3A_610 = vector.extract_strided_slice %get3A_453 {offsets = [12], sizes = [1], strides = [1]} : vector<16xi32> to vector<1xi32>
      %squeeze3A_611 = vector.extract %slice3A_610[0] : i32 from vector<1xi32>
      %add3A_612 = arith.addi %mul3A_2, %mul3A_239 : i32
      %add3A_613 = arith.constant 16 : i32
      %add3A_614 = arith.addi %add3A_612, %add3A_613 : i32
      %add3A_615 = arith.constant 12 : i32
      %add3A_616 = arith.addi %add3A_614, %add3A_615 : i32
      %dma_start3A_617 = arith.constant 0 : i32
      %dma_start3A_618 = tpu.memref_slice %arg4[%add3A_616, %dma_start3A_617] : memref<8192x2048xf32, #tpu.memory_space<hbm>> -> memref<1x2048xf32, #tpu.memory_space<hbm>>
      %dma_start3A_619 = tpu.memref_squeeze %dma_start3A_618 : memref<1x2048xf32, #tpu.memory_space<hbm>> -> memref<2048xf32, #tpu.memory_space<hbm>>
      %dma_start3A_620 = arith.constant 0 : i32
      %dma_start3A_621 = tpu.memref_slice %arg6[%squeeze3A_611, %dma_start3A_620] : memref<128x2048xf32, #tpu.memory_space<vmem_shared>> -> memref<1x2048xf32, #tpu.memory_space<vmem_shared>>
      %dma_start3A_622 = tpu.memref_squeeze %dma_start3A_621 : memref<1x2048xf32, #tpu.memory_space<vmem_shared>> -> memref<2048xf32, #tpu.memory_space<vmem_shared>>
      tpu.enqueue_dma source(%dma_start3A_622 : memref<2048xf32, #tpu.memory_space<vmem_shared>>) target(%dma_start3A_619 : memref<2048xf32, #tpu.memory_space<hbm>>) target_semaphore(%arg7 : memref<!tpu.dma_semaphore, #tpu.memory_space<semaphore_mem>>)
      %slice3A_623 = vector.extract_strided_slice %get3A_453 {offsets = [13], sizes = [1], strides = [1]} : vector<16xi32> to vector<1xi32>
      %squeeze3A_624 = vector.extract %slice3A_623[0] : i32 from vector<1xi32>
      %add3A_625 = arith.addi %mul3A_2, %mul3A_239 : i32
      %add3A_626 = arith.constant 16 : i32
      %add3A_627 = arith.addi %add3A_625, %add3A_626 : i32
      %add3A_628 = arith.constant 13 : i32
      %add3A_629 = arith.addi %add3A_627, %add3A_628 : i32
      %dma_start3A_630 = arith.constant 0 : i32
      %dma_start3A_631 = tpu.memref_slice %arg4[%add3A_629, %dma_start3A_630] : memref<8192x2048xf32, #tpu.memory_space<hbm>> -> memref<1x2048xf32, #tpu.memory_space<hbm>>
      %dma_start3A_632 = tpu.memref_squeeze %dma_start3A_631 : memref<1x2048xf32, #tpu.memory_space<hbm>> -> memref<2048xf32, #tpu.memory_space<hbm>>
      %dma_start3A_633 = arith.constant 0 : i32
      %dma_start3A_634 = tpu.memref_slice %arg6[%squeeze3A_624, %dma_start3A_633] : memref<128x2048xf32, #tpu.memory_space<vmem_shared>> -> memref<1x2048xf32, #tpu.memory_space<vmem_shared>>
      %dma_start3A_635 = tpu.memref_squeeze %dma_start3A_634 : memref<1x2048xf32, #tpu.memory_space<vmem_shared>> -> memref<2048xf32, #tpu.memory_space<vmem_shared>>
      tpu.enqueue_dma source(%dma_start3A_635 : memref<2048xf32, #tpu.memory_space<vmem_shared>>) target(%dma_start3A_632 : memref<2048xf32, #tpu.memory_space<hbm>>) target_semaphore(%arg7 : memref<!tpu.dma_semaphore, #tpu.memory_space<semaphore_mem>>)
      %slice3A_636 = vector.extract_strided_slice %get3A_453 {offsets = [14], sizes = [1], strides = [1]} : vector<16xi32> to vector<1xi32>
      %squeeze3A_637 = vector.extract %slice3A_636[0] : i32 from vector<1xi32>
      %add3A_638 = arith.addi %mul3A_2, %mul3A_239 : i32
      %add3A_639 = arith.constant 16 : i32
      %add3A_640 = arith.addi %add3A_638, %add3A_639 : i32
      %add3A_641 = arith.constant 14 : i32
      %add3A_642 = arith.addi %add3A_640, %add3A_641 : i32
      %dma_start3A_643 = arith.constant 0 : i32
      %dma_start3A_644 = tpu.memref_slice %arg4[%add3A_642, %dma_start3A_643] : memref<8192x2048xf32, #tpu.memory_space<hbm>> -> memref<1x2048xf32, #tpu.memory_space<hbm>>
      %dma_start3A_645 = tpu.memref_squeeze %dma_start3A_644 : memref<1x2048xf32, #tpu.memory_space<hbm>> -> memref<2048xf32, #tpu.memory_space<hbm>>
      %dma_start3A_646 = arith.constant 0 : i32
      %dma_start3A_647 = tpu.memref_slice %arg6[%squeeze3A_637, %dma_start3A_646] : memref<128x2048xf32, #tpu.memory_space<vmem_shared>> -> memref<1x2048xf32, #tpu.memory_space<vmem_shared>>
      %dma_start3A_648 = tpu.memref_squeeze %dma_start3A_647 : memref<1x2048xf32, #tpu.memory_space<vmem_shared>> -> memref<2048xf32, #tpu.memory_space<vmem_shared>>
      tpu.enqueue_dma source(%dma_start3A_648 : memref<2048xf32, #tpu.memory_space<vmem_shared>>) target(%dma_start3A_645 : memref<2048xf32, #tpu.memory_space<hbm>>) target_semaphore(%arg7 : memref<!tpu.dma_semaphore, #tpu.memory_space<semaphore_mem>>)
      %slice3A_649 = vector.extract_strided_slice %get3A_453 {offsets = [15], sizes = [1], strides = [1]} : vector<16xi32> to vector<1xi32>
      %squeeze3A_650 = vector.extract %slice3A_649[0] : i32 from vector<1xi32>
      %add3A_651 = arith.addi %mul3A_2, %mul3A_239 : i32
      %add3A_652 = arith.constant 16 : i32
      %add3A_653 = arith.addi %add3A_651, %add3A_652 : i32
      %add3A_654 = arith.constant 15 : i32
      %add3A_655 = arith.addi %add3A_653, %add3A_654 : i32
      %dma_start3A_656 = arith.constant 0 : i32
      %dma_start3A_657 = tpu.memref_slice %arg4[%add3A_655, %dma_start3A_656] : memref<8192x2048xf32, #tpu.memory_space<hbm>> -> memref<1x2048xf32, #tpu.memory_space<hbm>>
      %dma_start3A_658 = tpu.memref_squeeze %dma_start3A_657 : memref<1x2048xf32, #tpu.memory_space<hbm>> -> memref<2048xf32, #tpu.memory_space<hbm>>
      %dma_start3A_659 = arith.constant 0 : i32
      %dma_start3A_660 = tpu.memref_slice %arg6[%squeeze3A_650, %dma_start3A_659] : memref<128x2048xf32, #tpu.memory_space<vmem_shared>> -> memref<1x2048xf32, #tpu.memory_space<vmem_shared>>
      %dma_start3A_661 = tpu.memref_squeeze %dma_start3A_660 : memref<1x2048xf32, #tpu.memory_space<vmem_shared>> -> memref<2048xf32, #tpu.memory_space<vmem_shared>>
      tpu.enqueue_dma source(%dma_start3A_661 : memref<2048xf32, #tpu.memory_space<vmem_shared>>) target(%dma_start3A_658 : memref<2048xf32, #tpu.memory_space<hbm>>) target_semaphore(%arg7 : memref<!tpu.dma_semaphore, #tpu.memory_space<semaphore_mem>>)
      %gt3A = arith.constant 0 : i32
      %gt3A_662 = arith.cmpi sgt, %scan3A_236, %gt3A : i32
      %convert_element_type3A = arith.extui %gt3A_662 : i1 to i32
      %cond3A = arith.constant 0 : i32
      %cond3A_663 = arith.cmpi ne, %convert_element_type3A, %cond3A : i32
      scf.if %cond3A_663 {
        %dma_wait3A_665 = arith.constant 0 : i32
        %dma_wait3A_666 = arith.constant 0 : i32
        %dma_wait3A_667 = tpu.memref_slice %arg4[%mul3A_2, %dma_wait3A_666] : memref<8192x2048xf32, #tpu.memory_space<hbm>> -> memref<1x2048xf32, #tpu.memory_space<hbm>>
        %dma_wait3A_668 = tpu.memref_squeeze %dma_wait3A_667 : memref<1x2048xf32, #tpu.memory_space<hbm>> -> memref<2048xf32, #tpu.memory_space<hbm>>
        %dma_wait3A_669 = arith.constant 0 : i32
        %dma_wait3A_670 = tpu.memref_slice %arg6[%dma_wait3A_665, %dma_wait3A_669] : memref<128x2048xf32, #tpu.memory_space<vmem_shared>> -> memref<1x2048xf32, #tpu.memory_space<vmem_shared>>
        %dma_wait3A_671 = tpu.memref_squeeze %dma_wait3A_670 : memref<1x2048xf32, #tpu.memory_space<vmem_shared>> -> memref<2048xf32, #tpu.memory_space<vmem_shared>>
        tpu.wait_dma2 semaphore(%arg7 : memref<!tpu.dma_semaphore, #tpu.memory_space<semaphore_mem>>) src(%dma_wait3A_671 : memref<2048xf32, #tpu.memory_space<vmem_shared>>) dst(%dma_wait3A_668 : memref<2048xf32, #tpu.memory_space<hbm>>)
        %dma_wait3A_672 = arith.constant 0 : i32
        %dma_wait3A_673 = arith.constant 0 : i32
        %dma_wait3A_674 = tpu.memref_slice %arg4[%mul3A_2, %dma_wait3A_673] : memref<8192x2048xf32, #tpu.memory_space<hbm>> -> memref<1x2048xf32, #tpu.memory_space<hbm>>
        %dma_wait3A_675 = tpu.memref_squeeze %dma_wait3A_674 : memref<1x2048xf32, #tpu.memory_space<hbm>> -> memref<2048xf32, #tpu.memory_space<hbm>>
        %dma_wait3A_676 = arith.constant 0 : i32
        %dma_wait3A_677 = tpu.memref_slice %arg6[%dma_wait3A_672, %dma_wait3A_676] : memref<128x2048xf32, #tpu.memory_space<vmem_shared>> -> memref<1x2048xf32, #tpu.memory_space<vmem_shared>>
        %dma_wait3A_678 = tpu.memref_squeeze %dma_wait3A_677 : memref<1x2048xf32, #tpu.memory_space<vmem_shared>> -> memref<2048xf32, #tpu.memory_space<vmem_shared>>
        tpu.wait_dma2 semaphore(%arg7 : memref<!tpu.dma_semaphore, #tpu.memory_space<semaphore_mem>>) src(%dma_wait3A_678 : memref<2048xf32, #tpu.memory_space<vmem_shared>>) dst(%dma_wait3A_675 : memref<2048xf32, #tpu.memory_space<hbm>>)
        %dma_wait3A_679 = arith.constant 0 : i32
        %dma_wait3A_680 = arith.constant 0 : i32
        %dma_wait3A_681 = tpu.memref_slice %arg4[%mul3A_2, %dma_wait3A_680] : memref<8192x2048xf32, #tpu.memory_space<hbm>> -> memref<1x2048xf32, #tpu.memory_space<hbm>>
        %dma_wait3A_682 = tpu.memref_squeeze %dma_wait3A_681 : memref<1x2048xf32, #tpu.memory_space<hbm>> -> memref<2048xf32, #tpu.memory_space<hbm>>
        %dma_wait3A_683 = arith.constant 0 : i32
        %dma_wait3A_684 = tpu.memref_slice %arg6[%dma_wait3A_679, %dma_wait3A_683] : memref<128x2048xf32, #tpu.memory_space<vmem_shared>> -> memref<1x2048xf32, #tpu.memory_space<vmem_shared>>
        %dma_wait3A_685 = tpu.memref_squeeze %dma_wait3A_684 : memref<1x2048xf32, #tpu.memory_space<vmem_shared>> -> memref<2048xf32, #tpu.memory_space<vmem_shared>>
        tpu.wait_dma2 semaphore(%arg7 : memref<!tpu.dma_semaphore, #tpu.memory_space<semaphore_mem>>) src(%dma_wait3A_685 : memref<2048xf32, #tpu.memory_space<vmem_shared>>) dst(%dma_wait3A_682 : memref<2048xf32, #tpu.memory_space<hbm>>)
        %dma_wait3A_686 = arith.constant 0 : i32
        %dma_wait3A_687 = arith.constant 0 : i32
        %dma_wait3A_688 = tpu.memref_slice %arg4[%mul3A_2, %dma_wait3A_687] : memref<8192x2048xf32, #tpu.memory_space<hbm>> -> memref<1x2048xf32, #tpu.memory_space<hbm>>
        %dma_wait3A_689 = tpu.memref_squeeze %dma_wait3A_688 : memref<1x2048xf32, #tpu.memory_space<hbm>> -> memref<2048xf32, #tpu.memory_space<hbm>>
        %dma_wait3A_690 = arith.constant 0 : i32
        %dma_wait3A_691 = tpu.memref_slice %arg6[%dma_wait3A_686, %dma_wait3A_690] : memref<128x2048xf32, #tpu.memory_space<vmem_shared>> -> memref<1x2048xf32, #tpu.memory_space<vmem_shared>>
        %dma_wait3A_692 = tpu.memref_squeeze %dma_wait3A_691 : memref<1x2048xf32, #tpu.memory_space<vmem_shared>> -> memref<2048xf32, #tpu.memory_space<vmem_shared>>
        tpu.wait_dma2 semaphore(%arg7 : memref<!tpu.dma_semaphore, #tpu.memory_space<semaphore_mem>>) src(%dma_wait3A_692 : memref<2048xf32, #tpu.memory_space<vmem_shared>>) dst(%dma_wait3A_689 : memref<2048xf32, #tpu.memory_space<hbm>>)
        %dma_wait3A_693 = arith.constant 0 : i32
        %dma_wait3A_694 = arith.constant 0 : i32
        %dma_wait3A_695 = tpu.memref_slice %arg4[%mul3A_2, %dma_wait3A_694] : memref<8192x2048xf32, #tpu.memory_space<hbm>> -> memref<1x2048xf32, #tpu.memory_space<hbm>>
        %dma_wait3A_696 = tpu.memref_squeeze %dma_wait3A_695 : memref<1x2048xf32, #tpu.memory_space<hbm>> -> memref<2048xf32, #tpu.memory_space<hbm>>
        %dma_wait3A_697 = arith.constant 0 : i32
        %dma_wait3A_698 = tpu.memref_slice %arg6[%dma_wait3A_693, %dma_wait3A_697] : memref<128x2048xf32, #tpu.memory_space<vmem_shared>> -> memref<1x2048xf32, #tpu.memory_space<vmem_shared>>
        %dma_wait3A_699 = tpu.memref_squeeze %dma_wait3A_698 : memref<1x2048xf32, #tpu.memory_space<vmem_shared>> -> memref<2048xf32, #tpu.memory_space<vmem_shared>>
        tpu.wait_dma2 semaphore(%arg7 : memref<!tpu.dma_semaphore, #tpu.memory_space<semaphore_mem>>) src(%dma_wait3A_699 : memref<2048xf32, #tpu.memory_space<vmem_shared>>) dst(%dma_wait3A_696 : memref<2048xf32, #tpu.memory_space<hbm>>)
        %dma_wait3A_700 = arith.constant 0 : i32
        %dma_wait3A_701 = arith.constant 0 : i32
        %dma_wait3A_702 = tpu.memref_slice %arg4[%mul3A_2, %dma_wait3A_701] : memref<8192x2048xf32, #tpu.memory_space<hbm>> -> memref<1x2048xf32, #tpu.memory_space<hbm>>
        %dma_wait3A_703 = tpu.memref_squeeze %dma_wait3A_702 : memref<1x2048xf32, #tpu.memory_space<hbm>> -> memref<2048xf32, #tpu.memory_space<hbm>>
        %dma_wait3A_704 = arith.constant 0 : i32
        %dma_wait3A_705 = tpu.memref_slice %arg6[%dma_wait3A_700, %dma_wait3A_704] : memref<128x2048xf32, #tpu.memory_space<vmem_shared>> -> memref<1x2048xf32, #tpu.memory_space<vmem_shared>>
        %dma_wait3A_706 = tpu.memref_squeeze %dma_wait3A_705 : memref<1x2048xf32, #tpu.memory_space<vmem_shared>> -> memref<2048xf32, #tpu.memory_space<vmem_shared>>
        tpu.wait_dma2 semaphore(%arg7 : memref<!tpu.dma_semaphore, #tpu.memory_space<semaphore_mem>>) src(%dma_wait3A_706 : memref<2048xf32, #tpu.memory_space<vmem_shared>>) dst(%dma_wait3A_703 : memref<2048xf32, #tpu.memory_space<hbm>>)
        %dma_wait3A_707 = arith.constant 0 : i32
        %dma_wait3A_708 = arith.constant 0 : i32
        %dma_wait3A_709 = tpu.memref_slice %arg4[%mul3A_2, %dma_wait3A_708] : memref<8192x2048xf32, #tpu.memory_space<hbm>> -> memref<1x2048xf32, #tpu.memory_space<hbm>>
        %dma_wait3A_710 = tpu.memref_squeeze %dma_wait3A_709 : memref<1x2048xf32, #tpu.memory_space<hbm>> -> memref<2048xf32, #tpu.memory_space<hbm>>
        %dma_wait3A_711 = arith.constant 0 : i32
        %dma_wait3A_712 = tpu.memref_slice %arg6[%dma_wait3A_707, %dma_wait3A_711] : memref<128x2048xf32, #tpu.memory_space<vmem_shared>> -> memref<1x2048xf32, #tpu.memory_space<vmem_shared>>
        %dma_wait3A_713 = tpu.memref_squeeze %dma_wait3A_712 : memref<1x2048xf32, #tpu.memory_space<vmem_shared>> -> memref<2048xf32, #tpu.memory_space<vmem_shared>>
        tpu.wait_dma2 semaphore(%arg7 : memref<!tpu.dma_semaphore, #tpu.memory_space<semaphore_mem>>) src(%dma_wait3A_713 : memref<2048xf32, #tpu.memory_space<vmem_shared>>) dst(%dma_wait3A_710 : memref<2048xf32, #tpu.memory_space<hbm>>)
        %dma_wait3A_714 = arith.constant 0 : i32
        %dma_wait3A_715 = arith.constant 0 : i32
        %dma_wait3A_716 = tpu.memref_slice %arg4[%mul3A_2, %dma_wait3A_715] : memref<8192x2048xf32, #tpu.memory_space<hbm>> -> memref<1x2048xf32, #tpu.memory_space<hbm>>
        %dma_wait3A_717 = tpu.memref_squeeze %dma_wait3A_716 : memref<1x2048xf32, #tpu.memory_space<hbm>> -> memref<2048xf32, #tpu.memory_space<hbm>>
        %dma_wait3A_718 = arith.constant 0 : i32
        %dma_wait3A_719 = tpu.memref_slice %arg6[%dma_wait3A_714, %dma_wait3A_718] : memref<128x2048xf32, #tpu.memory_space<vmem_shared>> -> memref<1x2048xf32, #tpu.memory_space<vmem_shared>>
        %dma_wait3A_720 = tpu.memref_squeeze %dma_wait3A_719 : memref<1x2048xf32, #tpu.memory_space<vmem_shared>> -> memref<2048xf32, #tpu.memory_space<vmem_shared>>
        tpu.wait_dma2 semaphore(%arg7 : memref<!tpu.dma_semaphore, #tpu.memory_space<semaphore_mem>>) src(%dma_wait3A_720 : memref<2048xf32, #tpu.memory_space<vmem_shared>>) dst(%dma_wait3A_717 : memref<2048xf32, #tpu.memory_space<hbm>>)
        %dma_wait3A_721 = arith.constant 0 : i32
        %dma_wait3A_722 = arith.constant 0 : i32
        %dma_wait3A_723 = tpu.memref_slice %arg4[%mul3A_2, %dma_wait3A_722] : memref<8192x2048xf32, #tpu.memory_space<hbm>> -> memref<1x2048xf32, #tpu.memory_space<hbm>>
        %dma_wait3A_724 = tpu.memref_squeeze %dma_wait3A_723 : memref<1x2048xf32, #tpu.memory_space<hbm>> -> memref<2048xf32, #tpu.memory_space<hbm>>
        %dma_wait3A_725 = arith.constant 0 : i32
        %dma_wait3A_726 = tpu.memref_slice %arg6[%dma_wait3A_721, %dma_wait3A_725] : memref<128x2048xf32, #tpu.memory_space<vmem_shared>> -> memref<1x2048xf32, #tpu.memory_space<vmem_shared>>
        %dma_wait3A_727 = tpu.memref_squeeze %dma_wait3A_726 : memref<1x2048xf32, #tpu.memory_space<vmem_shared>> -> memref<2048xf32, #tpu.memory_space<vmem_shared>>
        tpu.wait_dma2 semaphore(%arg7 : memref<!tpu.dma_semaphore, #tpu.memory_space<semaphore_mem>>) src(%dma_wait3A_727 : memref<2048xf32, #tpu.memory_space<vmem_shared>>) dst(%dma_wait3A_724 : memref<2048xf32, #tpu.memory_space<hbm>>)
        %dma_wait3A_728 = arith.constant 0 : i32
        %dma_wait3A_729 = arith.constant 0 : i32
        %dma_wait3A_730 = tpu.memref_slice %arg4[%mul3A_2, %dma_wait3A_729] : memref<8192x2048xf32, #tpu.memory_space<hbm>> -> memref<1x2048xf32, #tpu.memory_space<hbm>>
        %dma_wait3A_731 = tpu.memref_squeeze %dma_wait3A_730 : memref<1x2048xf32, #tpu.memory_space<hbm>> -> memref<2048xf32, #tpu.memory_space<hbm>>
        %dma_wait3A_732 = arith.constant 0 : i32
        %dma_wait3A_733 = tpu.memref_slice %arg6[%dma_wait3A_728, %dma_wait3A_732] : memref<128x2048xf32, #tpu.memory_space<vmem_shared>> -> memref<1x2048xf32, #tpu.memory_space<vmem_shared>>
        %dma_wait3A_734 = tpu.memref_squeeze %dma_wait3A_733 : memref<1x2048xf32, #tpu.memory_space<vmem_shared>> -> memref<2048xf32, #tpu.memory_space<vmem_shared>>
        tpu.wait_dma2 semaphore(%arg7 : memref<!tpu.dma_semaphore, #tpu.memory_space<semaphore_mem>>) src(%dma_wait3A_734 : memref<2048xf32, #tpu.memory_space<vmem_shared>>) dst(%dma_wait3A_731 : memref<2048xf32, #tpu.memory_space<hbm>>)
        %dma_wait3A_735 = arith.constant 0 : i32
        %dma_wait3A_736 = arith.constant 0 : i32
        %dma_wait3A_737 = tpu.memref_slice %arg4[%mul3A_2, %dma_wait3A_736] : memref<8192x2048xf32, #tpu.memory_space<hbm>> -> memref<1x2048xf32, #tpu.memory_space<hbm>>
        %dma_wait3A_738 = tpu.memref_squeeze %dma_wait3A_737 : memref<1x2048xf32, #tpu.memory_space<hbm>> -> memref<2048xf32, #tpu.memory_space<hbm>>
        %dma_wait3A_739 = arith.constant 0 : i32
        %dma_wait3A_740 = tpu.memref_slice %arg6[%dma_wait3A_735, %dma_wait3A_739] : memref<128x2048xf32, #tpu.memory_space<vmem_shared>> -> memref<1x2048xf32, #tpu.memory_space<vmem_shared>>
        %dma_wait3A_741 = tpu.memref_squeeze %dma_wait3A_740 : memref<1x2048xf32, #tpu.memory_space<vmem_shared>> -> memref<2048xf32, #tpu.memory_space<vmem_shared>>
        tpu.wait_dma2 semaphore(%arg7 : memref<!tpu.dma_semaphore, #tpu.memory_space<semaphore_mem>>) src(%dma_wait3A_741 : memref<2048xf32, #tpu.memory_space<vmem_shared>>) dst(%dma_wait3A_738 : memref<2048xf32, #tpu.memory_space<hbm>>)
        %dma_wait3A_742 = arith.constant 0 : i32
        %dma_wait3A_743 = arith.constant 0 : i32
        %dma_wait3A_744 = tpu.memref_slice %arg4[%mul3A_2, %dma_wait3A_743] : memref<8192x2048xf32, #tpu.memory_space<hbm>> -> memref<1x2048xf32, #tpu.memory_space<hbm>>
        %dma_wait3A_745 = tpu.memref_squeeze %dma_wait3A_744 : memref<1x2048xf32, #tpu.memory_space<hbm>> -> memref<2048xf32, #tpu.memory_space<hbm>>
        %dma_wait3A_746 = arith.constant 0 : i32
        %dma_wait3A_747 = tpu.memref_slice %arg6[%dma_wait3A_742, %dma_wait3A_746] : memref<128x2048xf32, #tpu.memory_space<vmem_shared>> -> memref<1x2048xf32, #tpu.memory_space<vmem_shared>>
        %dma_wait3A_748 = tpu.memref_squeeze %dma_wait3A_747 : memref<1x2048xf32, #tpu.memory_space<vmem_shared>> -> memref<2048xf32, #tpu.memory_space<vmem_shared>>
        tpu.wait_dma2 semaphore(%arg7 : memref<!tpu.dma_semaphore, #tpu.memory_space<semaphore_mem>>) src(%dma_wait3A_748 : memref<2048xf32, #tpu.memory_space<vmem_shared>>) dst(%dma_wait3A_745 : memref<2048xf32, #tpu.memory_space<hbm>>)
        %dma_wait3A_749 = arith.constant 0 : i32
        %dma_wait3A_750 = arith.constant 0 : i32
        %dma_wait3A_751 = tpu.memref_slice %arg4[%mul3A_2, %dma_wait3A_750] : memref<8192x2048xf32, #tpu.memory_space<hbm>> -> memref<1x2048xf32, #tpu.memory_space<hbm>>
        %dma_wait3A_752 = tpu.memref_squeeze %dma_wait3A_751 : memref<1x2048xf32, #tpu.memory_space<hbm>> -> memref<2048xf32, #tpu.memory_space<hbm>>
        %dma_wait3A_753 = arith.constant 0 : i32
        %dma_wait3A_754 = tpu.memref_slice %arg6[%dma_wait3A_749, %dma_wait3A_753] : memref<128x2048xf32, #tpu.memory_space<vmem_shared>> -> memref<1x2048xf32, #tpu.memory_space<vmem_shared>>
        %dma_wait3A_755 = tpu.memref_squeeze %dma_wait3A_754 : memref<1x2048xf32, #tpu.memory_space<vmem_shared>> -> memref<2048xf32, #tpu.memory_space<vmem_shared>>
        tpu.wait_dma2 semaphore(%arg7 : memref<!tpu.dma_semaphore, #tpu.memory_space<semaphore_mem>>) src(%dma_wait3A_755 : memref<2048xf32, #tpu.memory_space<vmem_shared>>) dst(%dma_wait3A_752 : memref<2048xf32, #tpu.memory_space<hbm>>)
        %dma_wait3A_756 = arith.constant 0 : i32
        %dma_wait3A_757 = arith.constant 0 : i32
        %dma_wait3A_758 = tpu.memref_slice %arg4[%mul3A_2, %dma_wait3A_757] : memref<8192x2048xf32, #tpu.memory_space<hbm>> -> memref<1x2048xf32, #tpu.memory_space<hbm>>
        %dma_wait3A_759 = tpu.memref_squeeze %dma_wait3A_758 : memref<1x2048xf32, #tpu.memory_space<hbm>> -> memref<2048xf32, #tpu.memory_space<hbm>>
        %dma_wait3A_760 = arith.constant 0 : i32
        %dma_wait3A_761 = tpu.memref_slice %arg6[%dma_wait3A_756, %dma_wait3A_760] : memref<128x2048xf32, #tpu.memory_space<vmem_shared>> -> memref<1x2048xf32, #tpu.memory_space<vmem_shared>>
        %dma_wait3A_762 = tpu.memref_squeeze %dma_wait3A_761 : memref<1x2048xf32, #tpu.memory_space<vmem_shared>> -> memref<2048xf32, #tpu.memory_space<vmem_shared>>
        tpu.wait_dma2 semaphore(%arg7 : memref<!tpu.dma_semaphore, #tpu.memory_space<semaphore_mem>>) src(%dma_wait3A_762 : memref<2048xf32, #tpu.memory_space<vmem_shared>>) dst(%dma_wait3A_759 : memref<2048xf32, #tpu.memory_space<hbm>>)
        %dma_wait3A_763 = arith.constant 0 : i32
        %dma_wait3A_764 = arith.constant 0 : i32
        %dma_wait3A_765 = tpu.memref_slice %arg4[%mul3A_2, %dma_wait3A_764] : memref<8192x2048xf32, #tpu.memory_space<hbm>> -> memref<1x2048xf32, #tpu.memory_space<hbm>>
        %dma_wait3A_766 = tpu.memref_squeeze %dma_wait3A_765 : memref<1x2048xf32, #tpu.memory_space<hbm>> -> memref<2048xf32, #tpu.memory_space<hbm>>
        %dma_wait3A_767 = arith.constant 0 : i32
        %dma_wait3A_768 = tpu.memref_slice %arg6[%dma_wait3A_763, %dma_wait3A_767] : memref<128x2048xf32, #tpu.memory_space<vmem_shared>> -> memref<1x2048xf32, #tpu.memory_space<vmem_shared>>
        %dma_wait3A_769 = tpu.memref_squeeze %dma_wait3A_768 : memref<1x2048xf32, #tpu.memory_space<vmem_shared>> -> memref<2048xf32, #tpu.memory_space<vmem_shared>>
        tpu.wait_dma2 semaphore(%arg7 : memref<!tpu.dma_semaphore, #tpu.memory_space<semaphore_mem>>) src(%dma_wait3A_769 : memref<2048xf32, #tpu.memory_space<vmem_shared>>) dst(%dma_wait3A_766 : memref<2048xf32, #tpu.memory_space<hbm>>)
        %dma_wait3A_770 = arith.constant 0 : i32
        %dma_wait3A_771 = arith.constant 0 : i32
        %dma_wait3A_772 = tpu.memref_slice %arg4[%mul3A_2, %dma_wait3A_771] : memref<8192x2048xf32, #tpu.memory_space<hbm>> -> memref<1x2048xf32, #tpu.memory_space<hbm>>
        %dma_wait3A_773 = tpu.memref_squeeze %dma_wait3A_772 : memref<1x2048xf32, #tpu.memory_space<hbm>> -> memref<2048xf32, #tpu.memory_space<hbm>>
        %dma_wait3A_774 = arith.constant 0 : i32
        %dma_wait3A_775 = tpu.memref_slice %arg6[%dma_wait3A_770, %dma_wait3A_774] : memref<128x2048xf32, #tpu.memory_space<vmem_shared>> -> memref<1x2048xf32, #tpu.memory_space<vmem_shared>>
        %dma_wait3A_776 = tpu.memref_squeeze %dma_wait3A_775 : memref<1x2048xf32, #tpu.memory_space<vmem_shared>> -> memref<2048xf32, #tpu.memory_space<vmem_shared>>
        tpu.wait_dma2 semaphore(%arg7 : memref<!tpu.dma_semaphore, #tpu.memory_space<semaphore_mem>>) src(%dma_wait3A_776 : memref<2048xf32, #tpu.memory_space<vmem_shared>>) dst(%dma_wait3A_773 : memref<2048xf32, #tpu.memory_space<hbm>>)
        %dma_wait3A_777 = arith.constant 0 : i32
        %dma_wait3A_778 = arith.constant 0 : i32
        %dma_wait3A_779 = tpu.memref_slice %arg4[%mul3A_2, %dma_wait3A_778] : memref<8192x2048xf32, #tpu.memory_space<hbm>> -> memref<1x2048xf32, #tpu.memory_space<hbm>>
        %dma_wait3A_780 = tpu.memref_squeeze %dma_wait3A_779 : memref<1x2048xf32, #tpu.memory_space<hbm>> -> memref<2048xf32, #tpu.memory_space<hbm>>
        %dma_wait3A_781 = arith.constant 0 : i32
        %dma_wait3A_782 = tpu.memref_slice %arg6[%dma_wait3A_777, %dma_wait3A_781] : memref<128x2048xf32, #tpu.memory_space<vmem_shared>> -> memref<1x2048xf32, #tpu.memory_space<vmem_shared>>
        %dma_wait3A_783 = tpu.memref_squeeze %dma_wait3A_782 : memref<1x2048xf32, #tpu.memory_space<vmem_shared>> -> memref<2048xf32, #tpu.memory_space<vmem_shared>>
        tpu.wait_dma2 semaphore(%arg7 : memref<!tpu.dma_semaphore, #tpu.memory_space<semaphore_mem>>) src(%dma_wait3A_783 : memref<2048xf32, #tpu.memory_space<vmem_shared>>) dst(%dma_wait3A_780 : memref<2048xf32, #tpu.memory_space<hbm>>)
        %dma_wait3A_784 = arith.constant 0 : i32
        %dma_wait3A_785 = arith.constant 0 : i32
        %dma_wait3A_786 = tpu.memref_slice %arg4[%mul3A_2, %dma_wait3A_785] : memref<8192x2048xf32, #tpu.memory_space<hbm>> -> memref<1x2048xf32, #tpu.memory_space<hbm>>
        %dma_wait3A_787 = tpu.memref_squeeze %dma_wait3A_786 : memref<1x2048xf32, #tpu.memory_space<hbm>> -> memref<2048xf32, #tpu.memory_space<hbm>>
        %dma_wait3A_788 = arith.constant 0 : i32
        %dma_wait3A_789 = tpu.memref_slice %arg6[%dma_wait3A_784, %dma_wait3A_788] : memref<128x2048xf32, #tpu.memory_space<vmem_shared>> -> memref<1x2048xf32, #tpu.memory_space<vmem_shared>>
        %dma_wait3A_790 = tpu.memref_squeeze %dma_wait3A_789 : memref<1x2048xf32, #tpu.memory_space<vmem_shared>> -> memref<2048xf32, #tpu.memory_space<vmem_shared>>
        tpu.wait_dma2 semaphore(%arg7 : memref<!tpu.dma_semaphore, #tpu.memory_space<semaphore_mem>>) src(%dma_wait3A_790 : memref<2048xf32, #tpu.memory_space<vmem_shared>>) dst(%dma_wait3A_787 : memref<2048xf32, #tpu.memory_space<hbm>>)
        %dma_wait3A_791 = arith.constant 0 : i32
        %dma_wait3A_792 = arith.constant 0 : i32
        %dma_wait3A_793 = tpu.memref_slice %arg4[%mul3A_2, %dma_wait3A_792] : memref<8192x2048xf32, #tpu.memory_space<hbm>> -> memref<1x2048xf32, #tpu.memory_space<hbm>>
        %dma_wait3A_794 = tpu.memref_squeeze %dma_wait3A_793 : memref<1x2048xf32, #tpu.memory_space<hbm>> -> memref<2048xf32, #tpu.memory_space<hbm>>
        %dma_wait3A_795 = arith.constant 0 : i32
        %dma_wait3A_796 = tpu.memref_slice %arg6[%dma_wait3A_791, %dma_wait3A_795] : memref<128x2048xf32, #tpu.memory_space<vmem_shared>> -> memref<1x2048xf32, #tpu.memory_space<vmem_shared>>
        %dma_wait3A_797 = tpu.memref_squeeze %dma_wait3A_796 : memref<1x2048xf32, #tpu.memory_space<vmem_shared>> -> memref<2048xf32, #tpu.memory_space<vmem_shared>>
        tpu.wait_dma2 semaphore(%arg7 : memref<!tpu.dma_semaphore, #tpu.memory_space<semaphore_mem>>) src(%dma_wait3A_797 : memref<2048xf32, #tpu.memory_space<vmem_shared>>) dst(%dma_wait3A_794 : memref<2048xf32, #tpu.memory_space<hbm>>)
        %dma_wait3A_798 = arith.constant 0 : i32
        %dma_wait3A_799 = arith.constant 0 : i32
        %dma_wait3A_800 = tpu.memref_slice %arg4[%mul3A_2, %dma_wait3A_799] : memref<8192x2048xf32, #tpu.memory_space<hbm>> -> memref<1x2048xf32, #tpu.memory_space<hbm>>
        %dma_wait3A_801 = tpu.memref_squeeze %dma_wait3A_800 : memref<1x2048xf32, #tpu.memory_space<hbm>> -> memref<2048xf32, #tpu.memory_space<hbm>>
        %dma_wait3A_802 = arith.constant 0 : i32
        %dma_wait3A_803 = tpu.memref_slice %arg6[%dma_wait3A_798, %dma_wait3A_802] : memref<128x2048xf32, #tpu.memory_space<vmem_shared>> -> memref<1x2048xf32, #tpu.memory_space<vmem_shared>>
        %dma_wait3A_804 = tpu.memref_squeeze %dma_wait3A_803 : memref<1x2048xf32, #tpu.memory_space<vmem_shared>> -> memref<2048xf32, #tpu.memory_space<vmem_shared>>
        tpu.wait_dma2 semaphore(%arg7 : memref<!tpu.dma_semaphore, #tpu.memory_space<semaphore_mem>>) src(%dma_wait3A_804 : memref<2048xf32, #tpu.memory_space<vmem_shared>>) dst(%dma_wait3A_801 : memref<2048xf32, #tpu.memory_space<hbm>>)
        %dma_wait3A_805 = arith.constant 0 : i32
        %dma_wait3A_806 = arith.constant 0 : i32
        %dma_wait3A_807 = tpu.memref_slice %arg4[%mul3A_2, %dma_wait3A_806] : memref<8192x2048xf32, #tpu.memory_space<hbm>> -> memref<1x2048xf32, #tpu.memory_space<hbm>>
        %dma_wait3A_808 = tpu.memref_squeeze %dma_wait3A_807 : memref<1x2048xf32, #tpu.memory_space<hbm>> -> memref<2048xf32, #tpu.memory_space<hbm>>
        %dma_wait3A_809 = arith.constant 0 : i32
        %dma_wait3A_810 = tpu.memref_slice %arg6[%dma_wait3A_805, %dma_wait3A_809] : memref<128x2048xf32, #tpu.memory_space<vmem_shared>> -> memref<1x2048xf32, #tpu.memory_space<vmem_shared>>
        %dma_wait3A_811 = tpu.memref_squeeze %dma_wait3A_810 : memref<1x2048xf32, #tpu.memory_space<vmem_shared>> -> memref<2048xf32, #tpu.memory_space<vmem_shared>>
        tpu.wait_dma2 semaphore(%arg7 : memref<!tpu.dma_semaphore, #tpu.memory_space<semaphore_mem>>) src(%dma_wait3A_811 : memref<2048xf32, #tpu.memory_space<vmem_shared>>) dst(%dma_wait3A_808 : memref<2048xf32, #tpu.memory_space<hbm>>)
        %dma_wait3A_812 = arith.constant 0 : i32
        %dma_wait3A_813 = arith.constant 0 : i32
        %dma_wait3A_814 = tpu.memref_slice %arg4[%mul3A_2, %dma_wait3A_813] : memref<8192x2048xf32, #tpu.memory_space<hbm>> -> memref<1x2048xf32, #tpu.memory_space<hbm>>
        %dma_wait3A_815 = tpu.memref_squeeze %dma_wait3A_814 : memref<1x2048xf32, #tpu.memory_space<hbm>> -> memref<2048xf32, #tpu.memory_space<hbm>>
        %dma_wait3A_816 = arith.constant 0 : i32
        %dma_wait3A_817 = tpu.memref_slice %arg6[%dma_wait3A_812, %dma_wait3A_816] : memref<128x2048xf32, #tpu.memory_space<vmem_shared>> -> memref<1x2048xf32, #tpu.memory_space<vmem_shared>>
        %dma_wait3A_818 = tpu.memref_squeeze %dma_wait3A_817 : memref<1x2048xf32, #tpu.memory_space<vmem_shared>> -> memref<2048xf32, #tpu.memory_space<vmem_shared>>
        tpu.wait_dma2 semaphore(%arg7 : memref<!tpu.dma_semaphore, #tpu.memory_space<semaphore_mem>>) src(%dma_wait3A_818 : memref<2048xf32, #tpu.memory_space<vmem_shared>>) dst(%dma_wait3A_815 : memref<2048xf32, #tpu.memory_space<hbm>>)
        %dma_wait3A_819 = arith.constant 0 : i32
        %dma_wait3A_820 = arith.constant 0 : i32
        %dma_wait3A_821 = tpu.memref_slice %arg4[%mul3A_2, %dma_wait3A_820] : memref<8192x2048xf32, #tpu.memory_space<hbm>> -> memref<1x2048xf32, #tpu.memory_space<hbm>>
        %dma_wait3A_822 = tpu.memref_squeeze %dma_wait3A_821 : memref<1x2048xf32, #tpu.memory_space<hbm>> -> memref<2048xf32, #tpu.memory_space<hbm>>
        %dma_wait3A_823 = arith.constant 0 : i32
        %dma_wait3A_824 = tpu.memref_slice %arg6[%dma_wait3A_819, %dma_wait3A_823] : memref<128x2048xf32, #tpu.memory_space<vmem_shared>> -> memref<1x2048xf32, #tpu.memory_space<vmem_shared>>
        %dma_wait3A_825 = tpu.memref_squeeze %dma_wait3A_824 : memref<1x2048xf32, #tpu.memory_space<vmem_shared>> -> memref<2048xf32, #tpu.memory_space<vmem_shared>>
        tpu.wait_dma2 semaphore(%arg7 : memref<!tpu.dma_semaphore, #tpu.memory_space<semaphore_mem>>) src(%dma_wait3A_825 : memref<2048xf32, #tpu.memory_space<vmem_shared>>) dst(%dma_wait3A_822 : memref<2048xf32, #tpu.memory_space<hbm>>)
        %dma_wait3A_826 = arith.constant 0 : i32
        %dma_wait3A_827 = arith.constant 0 : i32
        %dma_wait3A_828 = tpu.memref_slice %arg4[%mul3A_2, %dma_wait3A_827] : memref<8192x2048xf32, #tpu.memory_space<hbm>> -> memref<1x2048xf32, #tpu.memory_space<hbm>>
        %dma_wait3A_829 = tpu.memref_squeeze %dma_wait3A_828 : memref<1x2048xf32, #tpu.memory_space<hbm>> -> memref<2048xf32, #tpu.memory_space<hbm>>
        %dma_wait3A_830 = arith.constant 0 : i32
        %dma_wait3A_831 = tpu.memref_slice %arg6[%dma_wait3A_826, %dma_wait3A_830] : memref<128x2048xf32, #tpu.memory_space<vmem_shared>> -> memref<1x2048xf32, #tpu.memory_space<vmem_shared>>
        %dma_wait3A_832 = tpu.memref_squeeze %dma_wait3A_831 : memref<1x2048xf32, #tpu.memory_space<vmem_shared>> -> memref<2048xf32, #tpu.memory_space<vmem_shared>>
        tpu.wait_dma2 semaphore(%arg7 : memref<!tpu.dma_semaphore, #tpu.memory_space<semaphore_mem>>) src(%dma_wait3A_832 : memref<2048xf32, #tpu.memory_space<vmem_shared>>) dst(%dma_wait3A_829 : memref<2048xf32, #tpu.memory_space<hbm>>)
        %dma_wait3A_833 = arith.constant 0 : i32
        %dma_wait3A_834 = arith.constant 0 : i32
        %dma_wait3A_835 = tpu.memref_slice %arg4[%mul3A_2, %dma_wait3A_834] : memref<8192x2048xf32, #tpu.memory_space<hbm>> -> memref<1x2048xf32, #tpu.memory_space<hbm>>
        %dma_wait3A_836 = tpu.memref_squeeze %dma_wait3A_835 : memref<1x2048xf32, #tpu.memory_space<hbm>> -> memref<2048xf32, #tpu.memory_space<hbm>>
        %dma_wait3A_837 = arith.constant 0 : i32
        %dma_wait3A_838 = tpu.memref_slice %arg6[%dma_wait3A_833, %dma_wait3A_837] : memref<128x2048xf32, #tpu.memory_space<vmem_shared>> -> memref<1x2048xf32, #tpu.memory_space<vmem_shared>>
        %dma_wait3A_839 = tpu.memref_squeeze %dma_wait3A_838 : memref<1x2048xf32, #tpu.memory_space<vmem_shared>> -> memref<2048xf32, #tpu.memory_space<vmem_shared>>
        tpu.wait_dma2 semaphore(%arg7 : memref<!tpu.dma_semaphore, #tpu.memory_space<semaphore_mem>>) src(%dma_wait3A_839 : memref<2048xf32, #tpu.memory_space<vmem_shared>>) dst(%dma_wait3A_836 : memref<2048xf32, #tpu.memory_space<hbm>>)
        %dma_wait3A_840 = arith.constant 0 : i32
        %dma_wait3A_841 = arith.constant 0 : i32
        %dma_wait3A_842 = tpu.memref_slice %arg4[%mul3A_2, %dma_wait3A_841] : memref<8192x2048xf32, #tpu.memory_space<hbm>> -> memref<1x2048xf32, #tpu.memory_space<hbm>>
        %dma_wait3A_843 = tpu.memref_squeeze %dma_wait3A_842 : memref<1x2048xf32, #tpu.memory_space<hbm>> -> memref<2048xf32, #tpu.memory_space<hbm>>
        %dma_wait3A_844 = arith.constant 0 : i32
        %dma_wait3A_845 = tpu.memref_slice %arg6[%dma_wait3A_840, %dma_wait3A_844] : memref<128x2048xf32, #tpu.memory_space<vmem_shared>> -> memref<1x2048xf32, #tpu.memory_space<vmem_shared>>
        %dma_wait3A_846 = tpu.memref_squeeze %dma_wait3A_845 : memref<1x2048xf32, #tpu.memory_space<vmem_shared>> -> memref<2048xf32, #tpu.memory_space<vmem_shared>>
        tpu.wait_dma2 semaphore(%arg7 : memref<!tpu.dma_semaphore, #tpu.memory_space<semaphore_mem>>) src(%dma_wait3A_846 : memref<2048xf32, #tpu.memory_space<vmem_shared>>) dst(%dma_wait3A_843 : memref<2048xf32, #tpu.memory_space<hbm>>)
        %dma_wait3A_847 = arith.constant 0 : i32
        %dma_wait3A_848 = arith.constant 0 : i32
        %dma_wait3A_849 = tpu.memref_slice %arg4[%mul3A_2, %dma_wait3A_848] : memref<8192x2048xf32, #tpu.memory_space<hbm>> -> memref<1x2048xf32, #tpu.memory_space<hbm>>
        %dma_wait3A_850 = tpu.memref_squeeze %dma_wait3A_849 : memref<1x2048xf32, #tpu.memory_space<hbm>> -> memref<2048xf32, #tpu.memory_space<hbm>>
        %dma_wait3A_851 = arith.constant 0 : i32
        %dma_wait3A_852 = tpu.memref_slice %arg6[%dma_wait3A_847, %dma_wait3A_851] : memref<128x2048xf32, #tpu.memory_space<vmem_shared>> -> memref<1x2048xf32, #tpu.memory_space<vmem_shared>>
        %dma_wait3A_853 = tpu.memref_squeeze %dma_wait3A_852 : memref<1x2048xf32, #tpu.memory_space<vmem_shared>> -> memref<2048xf32, #tpu.memory_space<vmem_shared>>
        tpu.wait_dma2 semaphore(%arg7 : memref<!tpu.dma_semaphore, #tpu.memory_space<semaphore_mem>>) src(%dma_wait3A_853 : memref<2048xf32, #tpu.memory_space<vmem_shared>>) dst(%dma_wait3A_850 : memref<2048xf32, #tpu.memory_space<hbm>>)
        %dma_wait3A_854 = arith.constant 0 : i32
        %dma_wait3A_855 = arith.constant 0 : i32
        %dma_wait3A_856 = tpu.memref_slice %arg4[%mul3A_2, %dma_wait3A_855] : memref<8192x2048xf32, #tpu.memory_space<hbm>> -> memref<1x2048xf32, #tpu.memory_space<hbm>>
        %dma_wait3A_857 = tpu.memref_squeeze %dma_wait3A_856 : memref<1x2048xf32, #tpu.memory_space<hbm>> -> memref<2048xf32, #tpu.memory_space<hbm>>
        %dma_wait3A_858 = arith.constant 0 : i32
        %dma_wait3A_859 = tpu.memref_slice %arg6[%dma_wait3A_854, %dma_wait3A_858] : memref<128x2048xf32, #tpu.memory_space<vmem_shared>> -> memref<1x2048xf32, #tpu.memory_space<vmem_shared>>
        %dma_wait3A_860 = tpu.memref_squeeze %dma_wait3A_859 : memref<1x2048xf32, #tpu.memory_space<vmem_shared>> -> memref<2048xf32, #tpu.memory_space<vmem_shared>>
        tpu.wait_dma2 semaphore(%arg7 : memref<!tpu.dma_semaphore, #tpu.memory_space<semaphore_mem>>) src(%dma_wait3A_860 : memref<2048xf32, #tpu.memory_space<vmem_shared>>) dst(%dma_wait3A_857 : memref<2048xf32, #tpu.memory_space<hbm>>)
        %dma_wait3A_861 = arith.constant 0 : i32
        %dma_wait3A_862 = arith.constant 0 : i32
        %dma_wait3A_863 = tpu.memref_slice %arg4[%mul3A_2, %dma_wait3A_862] : memref<8192x2048xf32, #tpu.memory_space<hbm>> -> memref<1x2048xf32, #tpu.memory_space<hbm>>
        %dma_wait3A_864 = tpu.memref_squeeze %dma_wait3A_863 : memref<1x2048xf32, #tpu.memory_space<hbm>> -> memref<2048xf32, #tpu.memory_space<hbm>>
        %dma_wait3A_865 = arith.constant 0 : i32
        %dma_wait3A_866 = tpu.memref_slice %arg6[%dma_wait3A_861, %dma_wait3A_865] : memref<128x2048xf32, #tpu.memory_space<vmem_shared>> -> memref<1x2048xf32, #tpu.memory_space<vmem_shared>>
        %dma_wait3A_867 = tpu.memref_squeeze %dma_wait3A_866 : memref<1x2048xf32, #tpu.memory_space<vmem_shared>> -> memref<2048xf32, #tpu.memory_space<vmem_shared>>
        tpu.wait_dma2 semaphore(%arg7 : memref<!tpu.dma_semaphore, #tpu.memory_space<semaphore_mem>>) src(%dma_wait3A_867 : memref<2048xf32, #tpu.memory_space<vmem_shared>>) dst(%dma_wait3A_864 : memref<2048xf32, #tpu.memory_space<hbm>>)
        %dma_wait3A_868 = arith.constant 0 : i32
        %dma_wait3A_869 = arith.constant 0 : i32
        %dma_wait3A_870 = tpu.memref_slice %arg4[%mul3A_2, %dma_wait3A_869] : memref<8192x2048xf32, #tpu.memory_space<hbm>> -> memref<1x2048xf32, #tpu.memory_space<hbm>>
        %dma_wait3A_871 = tpu.memref_squeeze %dma_wait3A_870 : memref<1x2048xf32, #tpu.memory_space<hbm>> -> memref<2048xf32, #tpu.memory_space<hbm>>
        %dma_wait3A_872 = arith.constant 0 : i32
        %dma_wait3A_873 = tpu.memref_slice %arg6[%dma_wait3A_868, %dma_wait3A_872] : memref<128x2048xf32, #tpu.memory_space<vmem_shared>> -> memref<1x2048xf32, #tpu.memory_space<vmem_shared>>
        %dma_wait3A_874 = tpu.memref_squeeze %dma_wait3A_873 : memref<1x2048xf32, #tpu.memory_space<vmem_shared>> -> memref<2048xf32, #tpu.memory_space<vmem_shared>>
        tpu.wait_dma2 semaphore(%arg7 : memref<!tpu.dma_semaphore, #tpu.memory_space<semaphore_mem>>) src(%dma_wait3A_874 : memref<2048xf32, #tpu.memory_space<vmem_shared>>) dst(%dma_wait3A_871 : memref<2048xf32, #tpu.memory_space<hbm>>)
        %dma_wait3A_875 = arith.constant 0 : i32
        %dma_wait3A_876 = arith.constant 0 : i32
        %dma_wait3A_877 = tpu.memref_slice %arg4[%mul3A_2, %dma_wait3A_876] : memref<8192x2048xf32, #tpu.memory_space<hbm>> -> memref<1x2048xf32, #tpu.memory_space<hbm>>
        %dma_wait3A_878 = tpu.memref_squeeze %dma_wait3A_877 : memref<1x2048xf32, #tpu.memory_space<hbm>> -> memref<2048xf32, #tpu.memory_space<hbm>>
        %dma_wait3A_879 = arith.constant 0 : i32
        %dma_wait3A_880 = tpu.memref_slice %arg6[%dma_wait3A_875, %dma_wait3A_879] : memref<128x2048xf32, #tpu.memory_space<vmem_shared>> -> memref<1x2048xf32, #tpu.memory_space<vmem_shared>>
        %dma_wait3A_881 = tpu.memref_squeeze %dma_wait3A_880 : memref<1x2048xf32, #tpu.memory_space<vmem_shared>> -> memref<2048xf32, #tpu.memory_space<vmem_shared>>
        tpu.wait_dma2 semaphore(%arg7 : memref<!tpu.dma_semaphore, #tpu.memory_space<semaphore_mem>>) src(%dma_wait3A_881 : memref<2048xf32, #tpu.memory_space<vmem_shared>>) dst(%dma_wait3A_878 : memref<2048xf32, #tpu.memory_space<hbm>>)
        %dma_wait3A_882 = arith.constant 0 : i32
        %dma_wait3A_883 = arith.constant 0 : i32
        %dma_wait3A_884 = tpu.memref_slice %arg4[%mul3A_2, %dma_wait3A_883] : memref<8192x2048xf32, #tpu.memory_space<hbm>> -> memref<1x2048xf32, #tpu.memory_space<hbm>>
        %dma_wait3A_885 = tpu.memref_squeeze %dma_wait3A_884 : memref<1x2048xf32, #tpu.memory_space<hbm>> -> memref<2048xf32, #tpu.memory_space<hbm>>
        %dma_wait3A_886 = arith.constant 0 : i32
        %dma_wait3A_887 = tpu.memref_slice %arg6[%dma_wait3A_882, %dma_wait3A_886] : memref<128x2048xf32, #tpu.memory_space<vmem_shared>> -> memref<1x2048xf32, #tpu.memory_space<vmem_shared>>
        %dma_wait3A_888 = tpu.memref_squeeze %dma_wait3A_887 : memref<1x2048xf32, #tpu.memory_space<vmem_shared>> -> memref<2048xf32, #tpu.memory_space<vmem_shared>>
        tpu.wait_dma2 semaphore(%arg7 : memref<!tpu.dma_semaphore, #tpu.memory_space<semaphore_mem>>) src(%dma_wait3A_888 : memref<2048xf32, #tpu.memory_space<vmem_shared>>) dst(%dma_wait3A_885 : memref<2048xf32, #tpu.memory_space<hbm>>)
      } else {
      }
      %scan3A_664 = arith.constant 0 : i32
      scf.yield %scan3A_664 : i32
    }
    %scan3A_12 = arith.constant 8 : i32
    %dma_wait3A = arith.constant 0 : i32
    %dma_wait3A_13 = arith.constant 0 : i32
    %dma_wait3A_14 = tpu.memref_slice %arg4[%mul3A_2, %dma_wait3A_13] : memref<8192x2048xf32, #tpu.memory_space<hbm>> -> memref<1x2048xf32, #tpu.memory_space<hbm>>
    %dma_wait3A_15 = tpu.memref_squeeze %dma_wait3A_14 : memref<1x2048xf32, #tpu.memory_space<hbm>> -> memref<2048xf32, #tpu.memory_space<hbm>>
    %dma_wait3A_16 = arith.constant 0 : i32
    %dma_wait3A_17 = tpu.memref_slice %arg6[%dma_wait3A, %dma_wait3A_16] : memref<128x2048xf32, #tpu.memory_space<vmem_shared>> -> memref<1x2048xf32, #tpu.memory_space<vmem_shared>>
    %dma_wait3A_18 = tpu.memref_squeeze %dma_wait3A_17 : memref<1x2048xf32, #tpu.memory_space<vmem_shared>> -> memref<2048xf32, #tpu.memory_space<vmem_shared>>
    tpu.wait_dma2 semaphore(%arg7 : memref<!tpu.dma_semaphore, #tpu.memory_space<semaphore_mem>>) src(%dma_wait3A_18 : memref<2048xf32, #tpu.memory_space<vmem_shared>>) dst(%dma_wait3A_15 : memref<2048xf32, #tpu.memory_space<hbm>>)
    %dma_wait3A_19 = arith.constant 0 : i32
    %dma_wait3A_20 = arith.constant 0 : i32
    %dma_wait3A_21 = tpu.memref_slice %arg4[%mul3A_2, %dma_wait3A_20] : memref<8192x2048xf32, #tpu.memory_space<hbm>> -> memref<1x2048xf32, #tpu.memory_space<hbm>>
    %dma_wait3A_22 = tpu.memref_squeeze %dma_wait3A_21 : memref<1x2048xf32, #tpu.memory_space<hbm>> -> memref<2048xf32, #tpu.memory_space<hbm>>
    %dma_wait3A_23 = arith.constant 0 : i32
    %dma_wait3A_24 = tpu.memref_slice %arg6[%dma_wait3A_19, %dma_wait3A_23] : memref<128x2048xf32, #tpu.memory_space<vmem_shared>> -> memref<1x2048xf32, #tpu.memory_space<vmem_shared>>
    %dma_wait3A_25 = tpu.memref_squeeze %dma_wait3A_24 : memref<1x2048xf32, #tpu.memory_space<vmem_shared>> -> memref<2048xf32, #tpu.memory_space<vmem_shared>>
    tpu.wait_dma2 semaphore(%arg7 : memref<!tpu.dma_semaphore, #tpu.memory_space<semaphore_mem>>) src(%dma_wait3A_25 : memref<2048xf32, #tpu.memory_space<vmem_shared>>) dst(%dma_wait3A_22 : memref<2048xf32, #tpu.memory_space<hbm>>)
    %dma_wait3A_26 = arith.constant 0 : i32
    %dma_wait3A_27 = arith.constant 0 : i32
    %dma_wait3A_28 = tpu.memref_slice %arg4[%mul3A_2, %dma_wait3A_27] : memref<8192x2048xf32, #tpu.memory_space<hbm>> -> memref<1x2048xf32, #tpu.memory_space<hbm>>
    %dma_wait3A_29 = tpu.memref_squeeze %dma_wait3A_28 : memref<1x2048xf32, #tpu.memory_space<hbm>> -> memref<2048xf32, #tpu.memory_space<hbm>>
    %dma_wait3A_30 = arith.constant 0 : i32
    %dma_wait3A_31 = tpu.memref_slice %arg6[%dma_wait3A_26, %dma_wait3A_30] : memref<128x2048xf32, #tpu.memory_space<vmem_shared>> -> memref<1x2048xf32, #tpu.memory_space<vmem_shared>>
    %dma_wait3A_32 = tpu.memref_squeeze %dma_wait3A_31 : memref<1x2048xf32, #tpu.memory_space<vmem_shared>> -> memref<2048xf32, #tpu.memory_space<vmem_shared>>
    tpu.wait_dma2 semaphore(%arg7 : memref<!tpu.dma_semaphore, #tpu.memory_space<semaphore_mem>>) src(%dma_wait3A_32 : memref<2048xf32, #tpu.memory_space<vmem_shared>>) dst(%dma_wait3A_29 : memref<2048xf32, #tpu.memory_space<hbm>>)
    %dma_wait3A_33 = arith.constant 0 : i32
    %dma_wait3A_34 = arith.constant 0 : i32
    %dma_wait3A_35 = tpu.memref_slice %arg4[%mul3A_2, %dma_wait3A_34] : memref<8192x2048xf32, #tpu.memory_space<hbm>> -> memref<1x2048xf32, #tpu.memory_space<hbm>>
    %dma_wait3A_36 = tpu.memref_squeeze %dma_wait3A_35 : memref<1x2048xf32, #tpu.memory_space<hbm>> -> memref<2048xf32, #tpu.memory_space<hbm>>
    %dma_wait3A_37 = arith.constant 0 : i32
    %dma_wait3A_38 = tpu.memref_slice %arg6[%dma_wait3A_33, %dma_wait3A_37] : memref<128x2048xf32, #tpu.memory_space<vmem_shared>> -> memref<1x2048xf32, #tpu.memory_space<vmem_shared>>
    %dma_wait3A_39 = tpu.memref_squeeze %dma_wait3A_38 : memref<1x2048xf32, #tpu.memory_space<vmem_shared>> -> memref<2048xf32, #tpu.memory_space<vmem_shared>>
    tpu.wait_dma2 semaphore(%arg7 : memref<!tpu.dma_semaphore, #tpu.memory_space<semaphore_mem>>) src(%dma_wait3A_39 : memref<2048xf32, #tpu.memory_space<vmem_shared>>) dst(%dma_wait3A_36 : memref<2048xf32, #tpu.memory_space<hbm>>)
    %dma_wait3A_40 = arith.constant 0 : i32
    %dma_wait3A_41 = arith.constant 0 : i32
    %dma_wait3A_42 = tpu.memref_slice %arg4[%mul3A_2, %dma_wait3A_41] : memref<8192x2048xf32, #tpu.memory_space<hbm>> -> memref<1x2048xf32, #tpu.memory_space<hbm>>
    %dma_wait3A_43 = tpu.memref_squeeze %dma_wait3A_42 : memref<1x2048xf32, #tpu.memory_space<hbm>> -> memref<2048xf32, #tpu.memory_space<hbm>>
    %dma_wait3A_44 = arith.constant 0 : i32
    %dma_wait3A_45 = tpu.memref_slice %arg6[%dma_wait3A_40, %dma_wait3A_44] : memref<128x2048xf32, #tpu.memory_space<vmem_shared>> -> memref<1x2048xf32, #tpu.memory_space<vmem_shared>>
    %dma_wait3A_46 = tpu.memref_squeeze %dma_wait3A_45 : memref<1x2048xf32, #tpu.memory_space<vmem_shared>> -> memref<2048xf32, #tpu.memory_space<vmem_shared>>
    tpu.wait_dma2 semaphore(%arg7 : memref<!tpu.dma_semaphore, #tpu.memory_space<semaphore_mem>>) src(%dma_wait3A_46 : memref<2048xf32, #tpu.memory_space<vmem_shared>>) dst(%dma_wait3A_43 : memref<2048xf32, #tpu.memory_space<hbm>>)
    %dma_wait3A_47 = arith.constant 0 : i32
    %dma_wait3A_48 = arith.constant 0 : i32
    %dma_wait3A_49 = tpu.memref_slice %arg4[%mul3A_2, %dma_wait3A_48] : memref<8192x2048xf32, #tpu.memory_space<hbm>> -> memref<1x2048xf32, #tpu.memory_space<hbm>>
    %dma_wait3A_50 = tpu.memref_squeeze %dma_wait3A_49 : memref<1x2048xf32, #tpu.memory_space<hbm>> -> memref<2048xf32, #tpu.memory_space<hbm>>
    %dma_wait3A_51 = arith.constant 0 : i32
    %dma_wait3A_52 = tpu.memref_slice %arg6[%dma_wait3A_47, %dma_wait3A_51] : memref<128x2048xf32, #tpu.memory_space<vmem_shared>> -> memref<1x2048xf32, #tpu.memory_space<vmem_shared>>
    %dma_wait3A_53 = tpu.memref_squeeze %dma_wait3A_52 : memref<1x2048xf32, #tpu.memory_space<vmem_shared>> -> memref<2048xf32, #tpu.memory_space<vmem_shared>>
    tpu.wait_dma2 semaphore(%arg7 : memref<!tpu.dma_semaphore, #tpu.memory_space<semaphore_mem>>) src(%dma_wait3A_53 : memref<2048xf32, #tpu.memory_space<vmem_shared>>) dst(%dma_wait3A_50 : memref<2048xf32, #tpu.memory_space<hbm>>)
    %dma_wait3A_54 = arith.constant 0 : i32
    %dma_wait3A_55 = arith.constant 0 : i32
    %dma_wait3A_56 = tpu.memref_slice %arg4[%mul3A_2, %dma_wait3A_55] : memref<8192x2048xf32, #tpu.memory_space<hbm>> -> memref<1x2048xf32, #tpu.memory_space<hbm>>
    %dma_wait3A_57 = tpu.memref_squeeze %dma_wait3A_56 : memref<1x2048xf32, #tpu.memory_space<hbm>> -> memref<2048xf32, #tpu.memory_space<hbm>>
    %dma_wait3A_58 = arith.constant 0 : i32
    %dma_wait3A_59 = tpu.memref_slice %arg6[%dma_wait3A_54, %dma_wait3A_58] : memref<128x2048xf32, #tpu.memory_space<vmem_shared>> -> memref<1x2048xf32, #tpu.memory_space<vmem_shared>>
    %dma_wait3A_60 = tpu.memref_squeeze %dma_wait3A_59 : memref<1x2048xf32, #tpu.memory_space<vmem_shared>> -> memref<2048xf32, #tpu.memory_space<vmem_shared>>
    tpu.wait_dma2 semaphore(%arg7 : memref<!tpu.dma_semaphore, #tpu.memory_space<semaphore_mem>>) src(%dma_wait3A_60 : memref<2048xf32, #tpu.memory_space<vmem_shared>>) dst(%dma_wait3A_57 : memref<2048xf32, #tpu.memory_space<hbm>>)
    %dma_wait3A_61 = arith.constant 0 : i32
    %dma_wait3A_62 = arith.constant 0 : i32
    %dma_wait3A_63 = tpu.memref_slice %arg4[%mul3A_2, %dma_wait3A_62] : memref<8192x2048xf32, #tpu.memory_space<hbm>> -> memref<1x2048xf32, #tpu.memory_space<hbm>>
    %dma_wait3A_64 = tpu.memref_squeeze %dma_wait3A_63 : memref<1x2048xf32, #tpu.memory_space<hbm>> -> memref<2048xf32, #tpu.memory_space<hbm>>
    %dma_wait3A_65 = arith.constant 0 : i32
    %dma_wait3A_66 = tpu.memref_slice %arg6[%dma_wait3A_61, %dma_wait3A_65] : memref<128x2048xf32, #tpu.memory_space<vmem_shared>> -> memref<1x2048xf32, #tpu.memory_space<vmem_shared>>
    %dma_wait3A_67 = tpu.memref_squeeze %dma_wait3A_66 : memref<1x2048xf32, #tpu.memory_space<vmem_shared>> -> memref<2048xf32, #tpu.memory_space<vmem_shared>>
    tpu.wait_dma2 semaphore(%arg7 : memref<!tpu.dma_semaphore, #tpu.memory_space<semaphore_mem>>) src(%dma_wait3A_67 : memref<2048xf32, #tpu.memory_space<vmem_shared>>) dst(%dma_wait3A_64 : memref<2048xf32, #tpu.memory_space<hbm>>)
    %dma_wait3A_68 = arith.constant 0 : i32
    %dma_wait3A_69 = arith.constant 0 : i32
    %dma_wait3A_70 = tpu.memref_slice %arg4[%mul3A_2, %dma_wait3A_69] : memref<8192x2048xf32, #tpu.memory_space<hbm>> -> memref<1x2048xf32, #tpu.memory_space<hbm>>
    %dma_wait3A_71 = tpu.memref_squeeze %dma_wait3A_70 : memref<1x2048xf32, #tpu.memory_space<hbm>> -> memref<2048xf32, #tpu.memory_space<hbm>>
    %dma_wait3A_72 = arith.constant 0 : i32
    %dma_wait3A_73 = tpu.memref_slice %arg6[%dma_wait3A_68, %dma_wait3A_72] : memref<128x2048xf32, #tpu.memory_space<vmem_shared>> -> memref<1x2048xf32, #tpu.memory_space<vmem_shared>>
    %dma_wait3A_74 = tpu.memref_squeeze %dma_wait3A_73 : memref<1x2048xf32, #tpu.memory_space<vmem_shared>> -> memref<2048xf32, #tpu.memory_space<vmem_shared>>
    tpu.wait_dma2 semaphore(%arg7 : memref<!tpu.dma_semaphore, #tpu.memory_space<semaphore_mem>>) src(%dma_wait3A_74 : memref<2048xf32, #tpu.memory_space<vmem_shared>>) dst(%dma_wait3A_71 : memref<2048xf32, #tpu.memory_space<hbm>>)
    %dma_wait3A_75 = arith.constant 0 : i32
    %dma_wait3A_76 = arith.constant 0 : i32
    %dma_wait3A_77 = tpu.memref_slice %arg4[%mul3A_2, %dma_wait3A_76] : memref<8192x2048xf32, #tpu.memory_space<hbm>> -> memref<1x2048xf32, #tpu.memory_space<hbm>>
    %dma_wait3A_78 = tpu.memref_squeeze %dma_wait3A_77 : memref<1x2048xf32, #tpu.memory_space<hbm>> -> memref<2048xf32, #tpu.memory_space<hbm>>
    %dma_wait3A_79 = arith.constant 0 : i32
    %dma_wait3A_80 = tpu.memref_slice %arg6[%dma_wait3A_75, %dma_wait3A_79] : memref<128x2048xf32, #tpu.memory_space<vmem_shared>> -> memref<1x2048xf32, #tpu.memory_space<vmem_shared>>
    %dma_wait3A_81 = tpu.memref_squeeze %dma_wait3A_80 : memref<1x2048xf32, #tpu.memory_space<vmem_shared>> -> memref<2048xf32, #tpu.memory_space<vmem_shared>>
    tpu.wait_dma2 semaphore(%arg7 : memref<!tpu.dma_semaphore, #tpu.memory_space<semaphore_mem>>) src(%dma_wait3A_81 : memref<2048xf32, #tpu.memory_space<vmem_shared>>) dst(%dma_wait3A_78 : memref<2048xf32, #tpu.memory_space<hbm>>)
    %dma_wait3A_82 = arith.constant 0 : i32
    %dma_wait3A_83 = arith.constant 0 : i32
    %dma_wait3A_84 = tpu.memref_slice %arg4[%mul3A_2, %dma_wait3A_83] : memref<8192x2048xf32, #tpu.memory_space<hbm>> -> memref<1x2048xf32, #tpu.memory_space<hbm>>
    %dma_wait3A_85 = tpu.memref_squeeze %dma_wait3A_84 : memref<1x2048xf32, #tpu.memory_space<hbm>> -> memref<2048xf32, #tpu.memory_space<hbm>>
    %dma_wait3A_86 = arith.constant 0 : i32
    %dma_wait3A_87 = tpu.memref_slice %arg6[%dma_wait3A_82, %dma_wait3A_86] : memref<128x2048xf32, #tpu.memory_space<vmem_shared>> -> memref<1x2048xf32, #tpu.memory_space<vmem_shared>>
    %dma_wait3A_88 = tpu.memref_squeeze %dma_wait3A_87 : memref<1x2048xf32, #tpu.memory_space<vmem_shared>> -> memref<2048xf32, #tpu.memory_space<vmem_shared>>
    tpu.wait_dma2 semaphore(%arg7 : memref<!tpu.dma_semaphore, #tpu.memory_space<semaphore_mem>>) src(%dma_wait3A_88 : memref<2048xf32, #tpu.memory_space<vmem_shared>>) dst(%dma_wait3A_85 : memref<2048xf32, #tpu.memory_space<hbm>>)
    %dma_wait3A_89 = arith.constant 0 : i32
    %dma_wait3A_90 = arith.constant 0 : i32
    %dma_wait3A_91 = tpu.memref_slice %arg4[%mul3A_2, %dma_wait3A_90] : memref<8192x2048xf32, #tpu.memory_space<hbm>> -> memref<1x2048xf32, #tpu.memory_space<hbm>>
    %dma_wait3A_92 = tpu.memref_squeeze %dma_wait3A_91 : memref<1x2048xf32, #tpu.memory_space<hbm>> -> memref<2048xf32, #tpu.memory_space<hbm>>
    %dma_wait3A_93 = arith.constant 0 : i32
    %dma_wait3A_94 = tpu.memref_slice %arg6[%dma_wait3A_89, %dma_wait3A_93] : memref<128x2048xf32, #tpu.memory_space<vmem_shared>> -> memref<1x2048xf32, #tpu.memory_space<vmem_shared>>
    %dma_wait3A_95 = tpu.memref_squeeze %dma_wait3A_94 : memref<1x2048xf32, #tpu.memory_space<vmem_shared>> -> memref<2048xf32, #tpu.memory_space<vmem_shared>>
    tpu.wait_dma2 semaphore(%arg7 : memref<!tpu.dma_semaphore, #tpu.memory_space<semaphore_mem>>) src(%dma_wait3A_95 : memref<2048xf32, #tpu.memory_space<vmem_shared>>) dst(%dma_wait3A_92 : memref<2048xf32, #tpu.memory_space<hbm>>)
    %dma_wait3A_96 = arith.constant 0 : i32
    %dma_wait3A_97 = arith.constant 0 : i32
    %dma_wait3A_98 = tpu.memref_slice %arg4[%mul3A_2, %dma_wait3A_97] : memref<8192x2048xf32, #tpu.memory_space<hbm>> -> memref<1x2048xf32, #tpu.memory_space<hbm>>
    %dma_wait3A_99 = tpu.memref_squeeze %dma_wait3A_98 : memref<1x2048xf32, #tpu.memory_space<hbm>> -> memref<2048xf32, #tpu.memory_space<hbm>>
    %dma_wait3A_100 = arith.constant 0 : i32
    %dma_wait3A_101 = tpu.memref_slice %arg6[%dma_wait3A_96, %dma_wait3A_100] : memref<128x2048xf32, #tpu.memory_space<vmem_shared>> -> memref<1x2048xf32, #tpu.memory_space<vmem_shared>>
    %dma_wait3A_102 = tpu.memref_squeeze %dma_wait3A_101 : memref<1x2048xf32, #tpu.memory_space<vmem_shared>> -> memref<2048xf32, #tpu.memory_space<vmem_shared>>
    tpu.wait_dma2 semaphore(%arg7 : memref<!tpu.dma_semaphore, #tpu.memory_space<semaphore_mem>>) src(%dma_wait3A_102 : memref<2048xf32, #tpu.memory_space<vmem_shared>>) dst(%dma_wait3A_99 : memref<2048xf32, #tpu.memory_space<hbm>>)
    %dma_wait3A_103 = arith.constant 0 : i32
    %dma_wait3A_104 = arith.constant 0 : i32
    %dma_wait3A_105 = tpu.memref_slice %arg4[%mul3A_2, %dma_wait3A_104] : memref<8192x2048xf32, #tpu.memory_space<hbm>> -> memref<1x2048xf32, #tpu.memory_space<hbm>>
    %dma_wait3A_106 = tpu.memref_squeeze %dma_wait3A_105 : memref<1x2048xf32, #tpu.memory_space<hbm>> -> memref<2048xf32, #tpu.memory_space<hbm>>
    %dma_wait3A_107 = arith.constant 0 : i32
    %dma_wait3A_108 = tpu.memref_slice %arg6[%dma_wait3A_103, %dma_wait3A_107] : memref<128x2048xf32, #tpu.memory_space<vmem_shared>> -> memref<1x2048xf32, #tpu.memory_space<vmem_shared>>
    %dma_wait3A_109 = tpu.memref_squeeze %dma_wait3A_108 : memref<1x2048xf32, #tpu.memory_space<vmem_shared>> -> memref<2048xf32, #tpu.memory_space<vmem_shared>>
    tpu.wait_dma2 semaphore(%arg7 : memref<!tpu.dma_semaphore, #tpu.memory_space<semaphore_mem>>) src(%dma_wait3A_109 : memref<2048xf32, #tpu.memory_space<vmem_shared>>) dst(%dma_wait3A_106 : memref<2048xf32, #tpu.memory_space<hbm>>)
    %dma_wait3A_110 = arith.constant 0 : i32
    %dma_wait3A_111 = arith.constant 0 : i32
    %dma_wait3A_112 = tpu.memref_slice %arg4[%mul3A_2, %dma_wait3A_111] : memref<8192x2048xf32, #tpu.memory_space<hbm>> -> memref<1x2048xf32, #tpu.memory_space<hbm>>
    %dma_wait3A_113 = tpu.memref_squeeze %dma_wait3A_112 : memref<1x2048xf32, #tpu.memory_space<hbm>> -> memref<2048xf32, #tpu.memory_space<hbm>>
    %dma_wait3A_114 = arith.constant 0 : i32
    %dma_wait3A_115 = tpu.memref_slice %arg6[%dma_wait3A_110, %dma_wait3A_114] : memref<128x2048xf32, #tpu.memory_space<vmem_shared>> -> memref<1x2048xf32, #tpu.memory_space<vmem_shared>>
    %dma_wait3A_116 = tpu.memref_squeeze %dma_wait3A_115 : memref<1x2048xf32, #tpu.memory_space<vmem_shared>> -> memref<2048xf32, #tpu.memory_space<vmem_shared>>
    tpu.wait_dma2 semaphore(%arg7 : memref<!tpu.dma_semaphore, #tpu.memory_space<semaphore_mem>>) src(%dma_wait3A_116 : memref<2048xf32, #tpu.memory_space<vmem_shared>>) dst(%dma_wait3A_113 : memref<2048xf32, #tpu.memory_space<hbm>>)
    %dma_wait3A_117 = arith.constant 0 : i32
    %dma_wait3A_118 = arith.constant 0 : i32
    %dma_wait3A_119 = tpu.memref_slice %arg4[%mul3A_2, %dma_wait3A_118] : memref<8192x2048xf32, #tpu.memory_space<hbm>> -> memref<1x2048xf32, #tpu.memory_space<hbm>>
    %dma_wait3A_120 = tpu.memref_squeeze %dma_wait3A_119 : memref<1x2048xf32, #tpu.memory_space<hbm>> -> memref<2048xf32, #tpu.memory_space<hbm>>
    %dma_wait3A_121 = arith.constant 0 : i32
    %dma_wait3A_122 = tpu.memref_slice %arg6[%dma_wait3A_117, %dma_wait3A_121] : memref<128x2048xf32, #tpu.memory_space<vmem_shared>> -> memref<1x2048xf32, #tpu.memory_space<vmem_shared>>
    %dma_wait3A_123 = tpu.memref_squeeze %dma_wait3A_122 : memref<1x2048xf32, #tpu.memory_space<vmem_shared>> -> memref<2048xf32, #tpu.memory_space<vmem_shared>>
    tpu.wait_dma2 semaphore(%arg7 : memref<!tpu.dma_semaphore, #tpu.memory_space<semaphore_mem>>) src(%dma_wait3A_123 : memref<2048xf32, #tpu.memory_space<vmem_shared>>) dst(%dma_wait3A_120 : memref<2048xf32, #tpu.memory_space<hbm>>)
    %dma_wait3A_124 = arith.constant 0 : i32
    %dma_wait3A_125 = arith.constant 0 : i32
    %dma_wait3A_126 = tpu.memref_slice %arg4[%mul3A_2, %dma_wait3A_125] : memref<8192x2048xf32, #tpu.memory_space<hbm>> -> memref<1x2048xf32, #tpu.memory_space<hbm>>
    %dma_wait3A_127 = tpu.memref_squeeze %dma_wait3A_126 : memref<1x2048xf32, #tpu.memory_space<hbm>> -> memref<2048xf32, #tpu.memory_space<hbm>>
    %dma_wait3A_128 = arith.constant 0 : i32
    %dma_wait3A_129 = tpu.memref_slice %arg6[%dma_wait3A_124, %dma_wait3A_128] : memref<128x2048xf32, #tpu.memory_space<vmem_shared>> -> memref<1x2048xf32, #tpu.memory_space<vmem_shared>>
    %dma_wait3A_130 = tpu.memref_squeeze %dma_wait3A_129 : memref<1x2048xf32, #tpu.memory_space<vmem_shared>> -> memref<2048xf32, #tpu.memory_space<vmem_shared>>
    tpu.wait_dma2 semaphore(%arg7 : memref<!tpu.dma_semaphore, #tpu.memory_space<semaphore_mem>>) src(%dma_wait3A_130 : memref<2048xf32, #tpu.memory_space<vmem_shared>>) dst(%dma_wait3A_127 : memref<2048xf32, #tpu.memory_space<hbm>>)
    %dma_wait3A_131 = arith.constant 0 : i32
    %dma_wait3A_132 = arith.constant 0 : i32
    %dma_wait3A_133 = tpu.memref_slice %arg4[%mul3A_2, %dma_wait3A_132] : memref<8192x2048xf32, #tpu.memory_space<hbm>> -> memref<1x2048xf32, #tpu.memory_space<hbm>>
    %dma_wait3A_134 = tpu.memref_squeeze %dma_wait3A_133 : memref<1x2048xf32, #tpu.memory_space<hbm>> -> memref<2048xf32, #tpu.memory_space<hbm>>
    %dma_wait3A_135 = arith.constant 0 : i32
    %dma_wait3A_136 = tpu.memref_slice %arg6[%dma_wait3A_131, %dma_wait3A_135] : memref<128x2048xf32, #tpu.memory_space<vmem_shared>> -> memref<1x2048xf32, #tpu.memory_space<vmem_shared>>
    %dma_wait3A_137 = tpu.memref_squeeze %dma_wait3A_136 : memref<1x2048xf32, #tpu.memory_space<vmem_shared>> -> memref<2048xf32, #tpu.memory_space<vmem_shared>>
    tpu.wait_dma2 semaphore(%arg7 : memref<!tpu.dma_semaphore, #tpu.memory_space<semaphore_mem>>) src(%dma_wait3A_137 : memref<2048xf32, #tpu.memory_space<vmem_shared>>) dst(%dma_wait3A_134 : memref<2048xf32, #tpu.memory_space<hbm>>)
    %dma_wait3A_138 = arith.constant 0 : i32
    %dma_wait3A_139 = arith.constant 0 : i32
    %dma_wait3A_140 = tpu.memref_slice %arg4[%mul3A_2, %dma_wait3A_139] : memref<8192x2048xf32, #tpu.memory_space<hbm>> -> memref<1x2048xf32, #tpu.memory_space<hbm>>
    %dma_wait3A_141 = tpu.memref_squeeze %dma_wait3A_140 : memref<1x2048xf32, #tpu.memory_space<hbm>> -> memref<2048xf32, #tpu.memory_space<hbm>>
    %dma_wait3A_142 = arith.constant 0 : i32
    %dma_wait3A_143 = tpu.memref_slice %arg6[%dma_wait3A_138, %dma_wait3A_142] : memref<128x2048xf32, #tpu.memory_space<vmem_shared>> -> memref<1x2048xf32, #tpu.memory_space<vmem_shared>>
    %dma_wait3A_144 = tpu.memref_squeeze %dma_wait3A_143 : memref<1x2048xf32, #tpu.memory_space<vmem_shared>> -> memref<2048xf32, #tpu.memory_space<vmem_shared>>
    tpu.wait_dma2 semaphore(%arg7 : memref<!tpu.dma_semaphore, #tpu.memory_space<semaphore_mem>>) src(%dma_wait3A_144 : memref<2048xf32, #tpu.memory_space<vmem_shared>>) dst(%dma_wait3A_141 : memref<2048xf32, #tpu.memory_space<hbm>>)
    %dma_wait3A_145 = arith.constant 0 : i32
    %dma_wait3A_146 = arith.constant 0 : i32
    %dma_wait3A_147 = tpu.memref_slice %arg4[%mul3A_2, %dma_wait3A_146] : memref<8192x2048xf32, #tpu.memory_space<hbm>> -> memref<1x2048xf32, #tpu.memory_space<hbm>>
    %dma_wait3A_148 = tpu.memref_squeeze %dma_wait3A_147 : memref<1x2048xf32, #tpu.memory_space<hbm>> -> memref<2048xf32, #tpu.memory_space<hbm>>
    %dma_wait3A_149 = arith.constant 0 : i32
    %dma_wait3A_150 = tpu.memref_slice %arg6[%dma_wait3A_145, %dma_wait3A_149] : memref<128x2048xf32, #tpu.memory_space<vmem_shared>> -> memref<1x2048xf32, #tpu.memory_space<vmem_shared>>
    %dma_wait3A_151 = tpu.memref_squeeze %dma_wait3A_150 : memref<1x2048xf32, #tpu.memory_space<vmem_shared>> -> memref<2048xf32, #tpu.memory_space<vmem_shared>>
    tpu.wait_dma2 semaphore(%arg7 : memref<!tpu.dma_semaphore, #tpu.memory_space<semaphore_mem>>) src(%dma_wait3A_151 : memref<2048xf32, #tpu.memory_space<vmem_shared>>) dst(%dma_wait3A_148 : memref<2048xf32, #tpu.memory_space<hbm>>)
    %dma_wait3A_152 = arith.constant 0 : i32
    %dma_wait3A_153 = arith.constant 0 : i32
    %dma_wait3A_154 = tpu.memref_slice %arg4[%mul3A_2, %dma_wait3A_153] : memref<8192x2048xf32, #tpu.memory_space<hbm>> -> memref<1x2048xf32, #tpu.memory_space<hbm>>
    %dma_wait3A_155 = tpu.memref_squeeze %dma_wait3A_154 : memref<1x2048xf32, #tpu.memory_space<hbm>> -> memref<2048xf32, #tpu.memory_space<hbm>>
    %dma_wait3A_156 = arith.constant 0 : i32
    %dma_wait3A_157 = tpu.memref_slice %arg6[%dma_wait3A_152, %dma_wait3A_156] : memref<128x2048xf32, #tpu.memory_space<vmem_shared>> -> memref<1x2048xf32, #tpu.memory_space<vmem_shared>>
    %dma_wait3A_158 = tpu.memref_squeeze %dma_wait3A_157 : memref<1x2048xf32, #tpu.memory_space<vmem_shared>> -> memref<2048xf32, #tpu.memory_space<vmem_shared>>
    tpu.wait_dma2 semaphore(%arg7 : memref<!tpu.dma_semaphore, #tpu.memory_space<semaphore_mem>>) src(%dma_wait3A_158 : memref<2048xf32, #tpu.memory_space<vmem_shared>>) dst(%dma_wait3A_155 : memref<2048xf32, #tpu.memory_space<hbm>>)
    %dma_wait3A_159 = arith.constant 0 : i32
    %dma_wait3A_160 = arith.constant 0 : i32
    %dma_wait3A_161 = tpu.memref_slice %arg4[%mul3A_2, %dma_wait3A_160] : memref<8192x2048xf32, #tpu.memory_space<hbm>> -> memref<1x2048xf32, #tpu.memory_space<hbm>>
    %dma_wait3A_162 = tpu.memref_squeeze %dma_wait3A_161 : memref<1x2048xf32, #tpu.memory_space<hbm>> -> memref<2048xf32, #tpu.memory_space<hbm>>
    %dma_wait3A_163 = arith.constant 0 : i32
    %dma_wait3A_164 = tpu.memref_slice %arg6[%dma_wait3A_159, %dma_wait3A_163] : memref<128x2048xf32, #tpu.memory_space<vmem_shared>> -> memref<1x2048xf32, #tpu.memory_space<vmem_shared>>
    %dma_wait3A_165 = tpu.memref_squeeze %dma_wait3A_164 : memref<1x2048xf32, #tpu.memory_space<vmem_shared>> -> memref<2048xf32, #tpu.memory_space<vmem_shared>>
    tpu.wait_dma2 semaphore(%arg7 : memref<!tpu.dma_semaphore, #tpu.memory_space<semaphore_mem>>) src(%dma_wait3A_165 : memref<2048xf32, #tpu.memory_space<vmem_shared>>) dst(%dma_wait3A_162 : memref<2048xf32, #tpu.memory_space<hbm>>)
    %dma_wait3A_166 = arith.constant 0 : i32
    %dma_wait3A_167 = arith.constant 0 : i32
    %dma_wait3A_168 = tpu.memref_slice %arg4[%mul3A_2, %dma_wait3A_167] : memref<8192x2048xf32, #tpu.memory_space<hbm>> -> memref<1x2048xf32, #tpu.memory_space<hbm>>
    %dma_wait3A_169 = tpu.memref_squeeze %dma_wait3A_168 : memref<1x2048xf32, #tpu.memory_space<hbm>> -> memref<2048xf32, #tpu.memory_space<hbm>>
    %dma_wait3A_170 = arith.constant 0 : i32
    %dma_wait3A_171 = tpu.memref_slice %arg6[%dma_wait3A_166, %dma_wait3A_170] : memref<128x2048xf32, #tpu.memory_space<vmem_shared>> -> memref<1x2048xf32, #tpu.memory_space<vmem_shared>>
    %dma_wait3A_172 = tpu.memref_squeeze %dma_wait3A_171 : memref<1x2048xf32, #tpu.memory_space<vmem_shared>> -> memref<2048xf32, #tpu.memory_space<vmem_shared>>
    tpu.wait_dma2 semaphore(%arg7 : memref<!tpu.dma_semaphore, #tpu.memory_space<semaphore_mem>>) src(%dma_wait3A_172 : memref<2048xf32, #tpu.memory_space<vmem_shared>>) dst(%dma_wait3A_169 : memref<2048xf32, #tpu.memory_space<hbm>>)
    %dma_wait3A_173 = arith.constant 0 : i32
    %dma_wait3A_174 = arith.constant 0 : i32
    %dma_wait3A_175 = tpu.memref_slice %arg4[%mul3A_2, %dma_wait3A_174] : memref<8192x2048xf32, #tpu.memory_space<hbm>> -> memref<1x2048xf32, #tpu.memory_space<hbm>>
    %dma_wait3A_176 = tpu.memref_squeeze %dma_wait3A_175 : memref<1x2048xf32, #tpu.memory_space<hbm>> -> memref<2048xf32, #tpu.memory_space<hbm>>
    %dma_wait3A_177 = arith.constant 0 : i32
    %dma_wait3A_178 = tpu.memref_slice %arg6[%dma_wait3A_173, %dma_wait3A_177] : memref<128x2048xf32, #tpu.memory_space<vmem_shared>> -> memref<1x2048xf32, #tpu.memory_space<vmem_shared>>
    %dma_wait3A_179 = tpu.memref_squeeze %dma_wait3A_178 : memref<1x2048xf32, #tpu.memory_space<vmem_shared>> -> memref<2048xf32, #tpu.memory_space<vmem_shared>>
    tpu.wait_dma2 semaphore(%arg7 : memref<!tpu.dma_semaphore, #tpu.memory_space<semaphore_mem>>) src(%dma_wait3A_179 : memref<2048xf32, #tpu.memory_space<vmem_shared>>) dst(%dma_wait3A_176 : memref<2048xf32, #tpu.memory_space<hbm>>)
    %dma_wait3A_180 = arith.constant 0 : i32
    %dma_wait3A_181 = arith.constant 0 : i32
    %dma_wait3A_182 = tpu.memref_slice %arg4[%mul3A_2, %dma_wait3A_181] : memref<8192x2048xf32, #tpu.memory_space<hbm>> -> memref<1x2048xf32, #tpu.memory_space<hbm>>
    %dma_wait3A_183 = tpu.memref_squeeze %dma_wait3A_182 : memref<1x2048xf32, #tpu.memory_space<hbm>> -> memref<2048xf32, #tpu.memory_space<hbm>>
    %dma_wait3A_184 = arith.constant 0 : i32
    %dma_wait3A_185 = tpu.memref_slice %arg6[%dma_wait3A_180, %dma_wait3A_184] : memref<128x2048xf32, #tpu.memory_space<vmem_shared>> -> memref<1x2048xf32, #tpu.memory_space<vmem_shared>>
    %dma_wait3A_186 = tpu.memref_squeeze %dma_wait3A_185 : memref<1x2048xf32, #tpu.memory_space<vmem_shared>> -> memref<2048xf32, #tpu.memory_space<vmem_shared>>
    tpu.wait_dma2 semaphore(%arg7 : memref<!tpu.dma_semaphore, #tpu.memory_space<semaphore_mem>>) src(%dma_wait3A_186 : memref<2048xf32, #tpu.memory_space<vmem_shared>>) dst(%dma_wait3A_183 : memref<2048xf32, #tpu.memory_space<hbm>>)
    %dma_wait3A_187 = arith.constant 0 : i32
    %dma_wait3A_188 = arith.constant 0 : i32
    %dma_wait3A_189 = tpu.memref_slice %arg4[%mul3A_2, %dma_wait3A_188] : memref<8192x2048xf32, #tpu.memory_space<hbm>> -> memref<1x2048xf32, #tpu.memory_space<hbm>>
    %dma_wait3A_190 = tpu.memref_squeeze %dma_wait3A_189 : memref<1x2048xf32, #tpu.memory_space<hbm>> -> memref<2048xf32, #tpu.memory_space<hbm>>
    %dma_wait3A_191 = arith.constant 0 : i32
    %dma_wait3A_192 = tpu.memref_slice %arg6[%dma_wait3A_187, %dma_wait3A_191] : memref<128x2048xf32, #tpu.memory_space<vmem_shared>> -> memref<1x2048xf32, #tpu.memory_space<vmem_shared>>
    %dma_wait3A_193 = tpu.memref_squeeze %dma_wait3A_192 : memref<1x2048xf32, #tpu.memory_space<vmem_shared>> -> memref<2048xf32, #tpu.memory_space<vmem_shared>>
    tpu.wait_dma2 semaphore(%arg7 : memref<!tpu.dma_semaphore, #tpu.memory_space<semaphore_mem>>) src(%dma_wait3A_193 : memref<2048xf32, #tpu.memory_space<vmem_shared>>) dst(%dma_wait3A_190 : memref<2048xf32, #tpu.memory_space<hbm>>)
    %dma_wait3A_194 = arith.constant 0 : i32
    %dma_wait3A_195 = arith.constant 0 : i32
    %dma_wait3A_196 = tpu.memref_slice %arg4[%mul3A_2, %dma_wait3A_195] : memref<8192x2048xf32, #tpu.memory_space<hbm>> -> memref<1x2048xf32, #tpu.memory_space<hbm>>
    %dma_wait3A_197 = tpu.memref_squeeze %dma_wait3A_196 : memref<1x2048xf32, #tpu.memory_space<hbm>> -> memref<2048xf32, #tpu.memory_space<hbm>>
    %dma_wait3A_198 = arith.constant 0 : i32
    %dma_wait3A_199 = tpu.memref_slice %arg6[%dma_wait3A_194, %dma_wait3A_198] : memref<128x2048xf32, #tpu.memory_space<vmem_shared>> -> memref<1x2048xf32, #tpu.memory_space<vmem_shared>>
    %dma_wait3A_200 = tpu.memref_squeeze %dma_wait3A_199 : memref<1x2048xf32, #tpu.memory_space<vmem_shared>> -> memref<2048xf32, #tpu.memory_space<vmem_shared>>
    tpu.wait_dma2 semaphore(%arg7 : memref<!tpu.dma_semaphore, #tpu.memory_space<semaphore_mem>>) src(%dma_wait3A_200 : memref<2048xf32, #tpu.memory_space<vmem_shared>>) dst(%dma_wait3A_197 : memref<2048xf32, #tpu.memory_space<hbm>>)
    %dma_wait3A_201 = arith.constant 0 : i32
    %dma_wait3A_202 = arith.constant 0 : i32
    %dma_wait3A_203 = tpu.memref_slice %arg4[%mul3A_2, %dma_wait3A_202] : memref<8192x2048xf32, #tpu.memory_space<hbm>> -> memref<1x2048xf32, #tpu.memory_space<hbm>>
    %dma_wait3A_204 = tpu.memref_squeeze %dma_wait3A_203 : memref<1x2048xf32, #tpu.memory_space<hbm>> -> memref<2048xf32, #tpu.memory_space<hbm>>
    %dma_wait3A_205 = arith.constant 0 : i32
    %dma_wait3A_206 = tpu.memref_slice %arg6[%dma_wait3A_201, %dma_wait3A_205] : memref<128x2048xf32, #tpu.memory_space<vmem_shared>> -> memref<1x2048xf32, #tpu.memory_space<vmem_shared>>
    %dma_wait3A_207 = tpu.memref_squeeze %dma_wait3A_206 : memref<1x2048xf32, #tpu.memory_space<vmem_shared>> -> memref<2048xf32, #tpu.memory_space<vmem_shared>>
    tpu.wait_dma2 semaphore(%arg7 : memref<!tpu.dma_semaphore, #tpu.memory_space<semaphore_mem>>) src(%dma_wait3A_207 : memref<2048xf32, #tpu.memory_space<vmem_shared>>) dst(%dma_wait3A_204 : memref<2048xf32, #tpu.memory_space<hbm>>)
    %dma_wait3A_208 = arith.constant 0 : i32
    %dma_wait3A_209 = arith.constant 0 : i32
    %dma_wait3A_210 = tpu.memref_slice %arg4[%mul3A_2, %dma_wait3A_209] : memref<8192x2048xf32, #tpu.memory_space<hbm>> -> memref<1x2048xf32, #tpu.memory_space<hbm>>
    %dma_wait3A_211 = tpu.memref_squeeze %dma_wait3A_210 : memref<1x2048xf32, #tpu.memory_space<hbm>> -> memref<2048xf32, #tpu.memory_space<hbm>>
    %dma_wait3A_212 = arith.constant 0 : i32
    %dma_wait3A_213 = tpu.memref_slice %arg6[%dma_wait3A_208, %dma_wait3A_212] : memref<128x2048xf32, #tpu.memory_space<vmem_shared>> -> memref<1x2048xf32, #tpu.memory_space<vmem_shared>>
    %dma_wait3A_214 = tpu.memref_squeeze %dma_wait3A_213 : memref<1x2048xf32, #tpu.memory_space<vmem_shared>> -> memref<2048xf32, #tpu.memory_space<vmem_shared>>
    tpu.wait_dma2 semaphore(%arg7 : memref<!tpu.dma_semaphore, #tpu.memory_space<semaphore_mem>>) src(%dma_wait3A_214 : memref<2048xf32, #tpu.memory_space<vmem_shared>>) dst(%dma_wait3A_211 : memref<2048xf32, #tpu.memory_space<hbm>>)
    %dma_wait3A_215 = arith.constant 0 : i32
    %dma_wait3A_216 = arith.constant 0 : i32
    %dma_wait3A_217 = tpu.memref_slice %arg4[%mul3A_2, %dma_wait3A_216] : memref<8192x2048xf32, #tpu.memory_space<hbm>> -> memref<1x2048xf32, #tpu.memory_space<hbm>>
    %dma_wait3A_218 = tpu.memref_squeeze %dma_wait3A_217 : memref<1x2048xf32, #tpu.memory_space<hbm>> -> memref<2048xf32, #tpu.memory_space<hbm>>
    %dma_wait3A_219 = arith.constant 0 : i32
    %dma_wait3A_220 = tpu.memref_slice %arg6[%dma_wait3A_215, %dma_wait3A_219] : memref<128x2048xf32, #tpu.memory_space<vmem_shared>> -> memref<1x2048xf32, #tpu.memory_space<vmem_shared>>
    %dma_wait3A_221 = tpu.memref_squeeze %dma_wait3A_220 : memref<1x2048xf32, #tpu.memory_space<vmem_shared>> -> memref<2048xf32, #tpu.memory_space<vmem_shared>>
    tpu.wait_dma2 semaphore(%arg7 : memref<!tpu.dma_semaphore, #tpu.memory_space<semaphore_mem>>) src(%dma_wait3A_221 : memref<2048xf32, #tpu.memory_space<vmem_shared>>) dst(%dma_wait3A_218 : memref<2048xf32, #tpu.memory_space<hbm>>)
    %dma_wait3A_222 = arith.constant 0 : i32
    %dma_wait3A_223 = arith.constant 0 : i32
    %dma_wait3A_224 = tpu.memref_slice %arg4[%mul3A_2, %dma_wait3A_223] : memref<8192x2048xf32, #tpu.memory_space<hbm>> -> memref<1x2048xf32, #tpu.memory_space<hbm>>
    %dma_wait3A_225 = tpu.memref_squeeze %dma_wait3A_224 : memref<1x2048xf32, #tpu.memory_space<hbm>> -> memref<2048xf32, #tpu.memory_space<hbm>>
    %dma_wait3A_226 = arith.constant 0 : i32
    %dma_wait3A_227 = tpu.memref_slice %arg6[%dma_wait3A_222, %dma_wait3A_226] : memref<128x2048xf32, #tpu.memory_space<vmem_shared>> -> memref<1x2048xf32, #tpu.memory_space<vmem_shared>>
    %dma_wait3A_228 = tpu.memref_squeeze %dma_wait3A_227 : memref<1x2048xf32, #tpu.memory_space<vmem_shared>> -> memref<2048xf32, #tpu.memory_space<vmem_shared>>
    tpu.wait_dma2 semaphore(%arg7 : memref<!tpu.dma_semaphore, #tpu.memory_space<semaphore_mem>>) src(%dma_wait3A_228 : memref<2048xf32, #tpu.memory_space<vmem_shared>>) dst(%dma_wait3A_225 : memref<2048xf32, #tpu.memory_space<hbm>>)
    %dma_wait3A_229 = arith.constant 0 : i32
    %dma_wait3A_230 = arith.constant 0 : i32
    %dma_wait3A_231 = tpu.memref_slice %arg4[%mul3A_2, %dma_wait3A_230] : memref<8192x2048xf32, #tpu.memory_space<hbm>> -> memref<1x2048xf32, #tpu.memory_space<hbm>>
    %dma_wait3A_232 = tpu.memref_squeeze %dma_wait3A_231 : memref<1x2048xf32, #tpu.memory_space<hbm>> -> memref<2048xf32, #tpu.memory_space<hbm>>
    %dma_wait3A_233 = arith.constant 0 : i32
    %dma_wait3A_234 = tpu.memref_slice %arg6[%dma_wait3A_229, %dma_wait3A_233] : memref<128x2048xf32, #tpu.memory_space<vmem_shared>> -> memref<1x2048xf32, #tpu.memory_space<vmem_shared>>
    %dma_wait3A_235 = tpu.memref_squeeze %dma_wait3A_234 : memref<1x2048xf32, #tpu.memory_space<vmem_shared>> -> memref<2048xf32, #tpu.memory_space<vmem_shared>>
    tpu.wait_dma2 semaphore(%arg7 : memref<!tpu.dma_semaphore, #tpu.memory_space<semaphore_mem>>) src(%dma_wait3A_235 : memref<2048xf32, #tpu.memory_space<vmem_shared>>) dst(%dma_wait3A_232 : memref<2048xf32, #tpu.memory_space<hbm>>)
    return
  }
}

module attributes {stable_mosaic.version = 14 : i64} {
  func.func @_tc_body(%arg0: i32, %arg1: memref<1x1x1024xi32, #tpu.memory_space<vmem>>, %arg2: memref<128x2048xf32, #tpu.memory_space<vmem>>, %arg3: memref<1024x2048xf32, #tpu.memory_space<vmem>>) attributes {dimension_semantics = [#tpu.dimension_semantics<arbitrary>], iteration_bounds = array<i64: 8>, scalar_prefetch = 0 : i64, scratch_operands = 0 : i64, tpu.core_type = #tpu.core_type<tc>, window_params = [{transform_indices = @transform_0, window_bounds = array<i64: 1, 1, 1024>}, {pipeline_mode = #tpu.pipeline_mode<synchronous>, transform_indices = @transform_1, window_bounds = array<i64: 128, 2048>}, {transform_indices = @transform_2, window_bounds = array<i64: 1024, 2048>}]} {
    %get3A = arith.constant 0 : index
    %get3A_0 = arith.constant 0 : index
    %get3A_1 = arith.constant 0 : index
    %get3A_2 = vector.load %arg1[%get3A, %get3A_0, %get3A_1] : memref<1x1x1024xi32, #tpu.memory_space<vmem>>, vector<1x1x1024xi32>
    %get3A_3 = vector.shape_cast %get3A_2 : vector<1x1x1024xi32> to vector<1024xi32>
    %broadcast_in_dim3A = vector.shape_cast %get3A_3 : vector<1024xi32> to vector<1024x1xi32>
    %iota3A = tpu.iota {dimensions = array<i32: 1>} : vector<1024x128xi32>
    %eq3A = vector.broadcast %broadcast_in_dim3A : vector<1024x1xi32> to vector<1024x128xi32>
    %eq3A_4 = arith.cmpi eq, %eq3A, %iota3A : vector<1024x128xi32>
    %convert_element_type3A = arith.extui %eq3A_4 : vector<1024x128xi1> to vector<1024x128xi32>
    %convert_element_type3A_5 = arith.sitofp %convert_element_type3A : vector<1024x128xi32> to vector<1024x128xf32>
    %get3A_6 = arith.constant 0 : index
    %get3A_7 = arith.constant 0 : index
    %get3A_8 = vector.load %arg2[%get3A_6, %get3A_7] : memref<128x2048xf32, #tpu.memory_space<vmem>>, vector<128x2048xf32>
    %dot_general3A = arith.constant dense<0.000000e+00> : vector<1024x2048xf32>
    %dot_general3A_9 = tpu.matmul %convert_element_type3A_5, %get3A_8, %dot_general3A {dimension_numbers = #tpu.dot_dimension_numbers<[1], [0], [0], [1], [0, 0, 1, 1], [], []>, transpose_lhs_hint = false} : vector<1024x128xf32>, vector<128x2048xf32>, vector<1024x2048xf32> -> vector<1024x2048xf32>
    %swap3A = arith.constant 0 : index
    %swap3A_10 = arith.constant 0 : index
    %swap3A_11 = vector.load %arg3[%swap3A, %swap3A_10] : memref<1024x2048xf32, #tpu.memory_space<vmem>>, vector<1024x2048xf32>
    tpu.vector_store %arg3[%swap3A, %swap3A_10], %dot_general3A_9 {strides = array<i32>} : memref<1024x2048xf32, #tpu.memory_space<vmem>>, vector<1024x2048xf32>,
    return
  }
  func.func @transform_0(%arg0: i32) -> (i32, i32, i32) {
    %c0_i32 = arith.constant 0 : i32
    %c0_i32_0 = arith.constant 0 : i32
    %c0_i32_1 = arith.constant 0 : i32
    return %arg0, %c0_i32, %c0_i32_0 : i32, i32, i32
  }
  func.func @transform_1(%arg0: i32) -> (i32, i32) {
    %c0_i32 = arith.constant 0 : i32
    %c0_i32_0 = arith.constant 0 : i32
    %c0_i32_1 = arith.constant 0 : i32
    return %c0_i32, %c0_i32_0 : i32, i32
  }
  func.func @transform_2(%arg0: i32) -> (i32, i32) {
    %c0_i32 = arith.constant 0 : i32
    %c0_i32_0 = arith.constant 0 : i32
    return %arg0, %c0_i32 : i32, i32
  }
}

</mosaic_0001>

<sc_bundles>
// kernel: kernel.4.cloned.1.call-start
scs
__scs_entry_jumppad:
0x0: {  	(pc) =	sbr.rel $0x88, $3  }
0x1: {  	(tag) =	ssettag $0x0;
	lr =	simm.s32 $0x1  }
0x2: {  	[smem:$0x3F9E] =	sst lr;
	_ =	strace $0xD0000000  }
0x3: {  	_ = 	snop  }
0x4: {  	_ = 	snop  }
0x5: {  	_ = 	snop  }
0x6: {  	_ = 	snop  }
0x7: {  	_ = 	snop  }
__scs_overlays_trampoline_lowered:
0x8: {  	[smem:$0x3FAD] =	sst s0  }
0x9: {  	[smem:$0x3FAE] =	sst s1  }
0xa: {  	[smem:$0x3FAF] =	sst s2  }
0xb: {  	[smem:$0x3FB0] =	sst s3  }
0xc: {  	[smem:$0x3FB1] =	sst s4  }
0xd: {  	[smem:$0x3FB2] =	sst s5  }
0xe: {  	[smem:$0x3FB3] =	sst s6  }
0xf: {  	[smem:$0x3FB4] =	sst s7  }
0x10: {  	[smem:$0x3FB5] =	sst s8  }
0x11: {  	[smem:$0x3FB6] =	sst s9;
	s0 =	simm.s32 @!p0 $0x0  }
0x12: {  	s1 =	sld [smem:$0x3F9C];
	s0 =	simm.s32 @p0 $0x1  }
0x13: {  	[smem:$0x3FB7] =	sst s0;
	s0 =	simm.s32 @!p1 $0x0  }
0x14: {  	s2 =	sld [smem:$0x3F9B];
	s0 =	simm.s32 @p1 $0x1  }
0x15: {  	[smem:$0x3FB8] =	sst s0;
	s0 =	simm.s32 @!p2 $0x0  }
0x16: {  	s3 =	sld [smem:$0x3FDB];
	s0 =	simm.s32 @p2 $0x1  }
0x17: {  	s4 =	simm.s32 $0x1BF5;
	[smem:$0x3FBA] =	sst s0  }
0x18: {  	s0 =	sld [smem:$0x3F9D];
	_ =	swait.ge [sflag:s4], $0x0  }
0x19: {  	s7 =	sld [smem:$0x3F9E]  }
0x1a: {  	s8 =	sadd.s32 $0xFFFFE003, lr  }
0x1b: {  	s9 =	sadd.s32 $0xFFFFFEF7, lr;
	s5 =	simm.s32 $0xFFFFFFFF;
	p2 =	slt.u32 s8, $0xFFFFF086  }
0x1c: {  	p1 =	slt.u32 s9, $0xF7A;
	s5 =	simm.s32 @!p2 $0x0  }
0x1d: {  	s5 =	simm.s32 @p1 $0x1;
	p0 =	seq.s32 s7, s2  }
0x1e: {  	s7 =	smul.u32 @!p0 $0xF7A, s2;
	p2 =	seq.s32 @!p0 s5, $0x0  }
0x1f: {  	s9 =	smul.u32 $0xF7A, s1;
	s8 =	simm.s32 @!p0 $0x1BF5;
	p2 =	por !p2, p0  }
0x20: {  	[sflag:s8] =	ssyncset.s32 @!p0 $0xFFFFF086;
	s6 =	sadd.s32 @!p0 s3, s7;
	s7 =	simm.s32 @!p0 $0x108  }
0x21: {  	s3 =	sadd.s32 s3, s9;
	s6 =	sadd.s32 @!p0 $0x88, s6;
	s7 =	simm.s32 @p2 $0x1082  }
0x22: {  	[simem:s7], [sflag:s8] =	dma.local @!p0 [hbm:s6], $0xF7A  }
0x23: {  	s9 =	sor.u32 $0xD0000000, s2;
	s6 =	simm.s32 $0x108;
	_ =	swait.ge @!p0 [sflag:s8], $0x0  }
0x24: {  	s3 =	sadd.s32 $0x88, s3;
	s6 =	simm.s32 @!p1 $0x1082;
	[sflag:s4] =	ssyncset.s32 $0xFFFFF086  }
0x25: {  	[simem:s6], [sflag:s4] =	dma.local [hbm:s3], $0xF7A  }
0x26: {  	[smem:$0x3F9E] =	sst s1;
	(tag) =	ssettag s2;
	_ =	strace s9  }
0x27: {  	s1 =	sld [smem:$0x3FAE]  }
0x28: {  	s2 =	sld [smem:$0x3FAF]  }
0x29: {  	s4 =	sld [smem:$0x3FB1]  }
0x2a: {  	p0 =	seq.s32 s5, $0x0;
	s5 =	sld [smem:$0x3FB2]  }
0x2b: {  	s6 =	sld [smem:$0x3FB3]  }
0x2c: {  	s7 =	sld [smem:$0x3FB4]  }
0x2d: {  	s3 =	simm.s32 $0x108;
	s8 =	sld [smem:$0x3FB5]  }
0x2e: {  	s3 =	simm.s32 @!p0 $0x1082;
	s9 =	sld [smem:$0x3FB6]  }
0x2f: {  	lr =	sadd.s32 s0, s3;
	s0 =	sld [smem:$0x3FAD]  }
0x30: {  	s3 =	sld [smem:$0x3FB0]  }
0x31: {  	[smem:$0x3FB9] =	sst s10  }
0x32: {  	s10 =	sld [smem:$0x3FB7];
	_ =	sdelay $0x3  }
0x33: {  	p0 =	seq.s32 s10, $0x1;
	s10 =	sld [smem:$0x3FB9];
	_ =	sdelay $0x3  }
0x34: {  	[smem:$0x3FB9] =	sst s10  }
0x35: {  	s10 =	sld [smem:$0x3FB8];
	_ =	sdelay $0x3  }
0x36: {  	p1 =	seq.s32 s10, $0x1;
	s10 =	sld [smem:$0x3FB9];
	_ =	sdelay $0x3  }
0x37: {  	[smem:$0x3FB9] =	sst s10  }
0x38: {  	s10 =	sld [smem:$0x3FBA]  }
0x39: {  	_ = 	snop;
	(pc) =	sbr.ind lr, $3  }
0x3a: {  	_ = 	snop  }
0x3b: {  	_ = 	snop  }
0x3c: {  	p2 =	seq.s32 s10, $0x1;
	s10 =	sld [smem:$0x3FB9]  }
0x3d: {  	_ =	shalt  }
0x3e: {  	_ =	shalt  }
0x3f: {  	_ =	shalt  }
0x40: {  	_ =	shalt  }
0x41: {  	_ =	shalt  }
0x42: {  	_ =	shalt  }
0x43: {  	_ =	shalt  }
0x44: {  	_ =	shalt  }
0x45: {  	_ =	shalt  }
0x46: {  	_ =	shalt  }
0x47: {  	_ =	shalt  }
0x48: {  	_ =	shalt  }
0x49: {  	_ =	shalt  }
0x4a: {  	_ =	shalt  }
0x4b: {  	_ =	shalt  }
0x4c: {  	_ =	shalt  }
0x4d: {  	_ =	shalt  }
0x4e: {  	_ =	shalt  }
0x4f: {  	_ =	shalt  }
0x50: {  	_ =	shalt  }
0x51: {  	_ =	shalt  }
0x52: {  	_ =	shalt  }
0x53: {  	_ =	shalt  }
0x54: {  	_ =	shalt  }
0x55: {  	_ =	shalt  }
0x56: {  	_ =	shalt  }
0x57: {  	_ =	shalt  }
0x58: {  	_ =	shalt  }
0x59: {  	_ =	shalt  }
0x5a: {  	_ =	shalt  }
0x5b: {  	_ =	shalt  }
0x5c: {  	_ =	shalt  }
0x5d: {  	_ =	shalt  }
0x5e: {  	_ =	shalt  }
0x5f: {  	_ =	shalt  }
0x60: {  	_ =	shalt  }
0x61: {  	_ =	shalt  }
0x62: {  	_ =	shalt  }
0x63: {  	_ =	shalt  }
0x64: {  	_ =	shalt  }
0x65: {  	_ =	shalt  }
0x66: {  	_ =	shalt  }
0x67: {  	_ =	shalt  }
0x68: {  	_ =	shalt  }
0x69: {  	_ =	shalt  }
0x6a: {  	_ =	shalt  }
0x6b: {  	_ =	shalt  }
0x6c: {  	_ =	shalt  }
0x6d: {  	_ =	shalt  }
0x6e: {  	_ =	shalt  }
0x6f: {  	_ =	shalt  }
0x70: {  	_ =	shalt  }
0x71: {  	_ =	shalt  }
0x72: {  	_ =	shalt  }
0x73: {  	_ =	shalt  }
0x74: {  	_ =	shalt  }
0x75: {  	_ =	shalt  }
0x76: {  	_ =	shalt  }
0x77: {  	_ =	shalt  }
0x78: {  	_ =	shalt  }
0x79: {  	_ =	shalt  }
0x7a: {  	_ =	shalt  }
0x7b: {  	_ =	shalt  }
0x7c: {  	_ =	shalt  }
0x7d: {  	_ =	shalt  }
0x7e: {  	_ =	shalt  }
0x7f: {  	_ =	shalt  }
0x80: {  	_ =	shalt  }
0x81: {  	_ =	shalt  }
0x82: {  	_ =	shalt  }
0x83: {  	_ =	shalt  }
0x84: {  	_ =	shalt  }
0x85: {  	_ =	shalt  }
0x86: {  	_ =	shalt  }
0x87: {  	_ =	shalt  }
.Lfunc_end0:
.L_simem_size_0:
called_computation_lowered:
.L_overlay_start_0:
0x88: {  	s2 =	sld [smem:$0x3FD9]  }
0x89: {  	s3 =	sld [smem:$0x3FFE];
	_ =	sdelay $0x1  }
0x8a: {  	s1 =	srdreg.scid  }
0x8b: {  	s0 =	sand.u32 $0x1, s1  }
0x8c: {  	s14 =	sshll.u32 s0, $0xA;
	s2 =	sadd.s32 s3, s2  }
0x8d: {  	s2 =	sadd.s32 s2, s14  }
0x8e: {  	[smem:$0x3FC5] =	sst s2  }
0x8f: {  	_ = 	snop  }
0x90: {  	s2 =	sld [smem:$0x3FD0];
	_ =	sdelay $0x2  }
0x91: {  	s4 =	simm.s32 $0xA;
	s5 =	simm.s32 $0x10;
	s15 =	sld [smem:$0x3FC8]  }
0x92: {  	[smem:s5], [sflag:s4] =	dma.local [hbm:s2], $0x1  }
0x93: {  	_ =	swait.eq [sflag:s4], $0x1  }
0x94: {  	[sflag:s4] =	ssyncset.done $0x0  }
0x95: {  	[sflag:s4] =	ssyncadd.s32 $0xFFFFFFFF  }
0x96: {  	s16 =	sld [smem:$0x10];
	(tm) =	ssettm $0x1  }
0x97: {  	s17 =	sld [smem:$0x3FFB];
	_ =	sdelay $0x3  }
0x98: {  	_ =	strace s17  }
0x99: {  	s4 =	sld [smem:$0x3FFC];
	_ =	sdelay $0x3  }
0x9a: {  	_ =	strace s4  }
0x9b: {  	s4 =	sld [smem:$0x3FFD];
	_ =	sdelay $0x3  }
0x9c: {  	_ =	strace s4  }
0x9d: {  	_ =	strace $0x8FFFFFFF  }
0x9e: {  	s18 =	sld [smem:$0x3FDB];
	_ =	sdelay $0x1  }
0x9f: {  	s19 =	simm.s32 $_scs_section_size  }
0xa0: {  	s6 =	simm.s32 $_size__tile_overlayer_lowered;
	s7 =	simm.s32 $_tile_overlayer_lowered  }
0xa1: {  	s22 =	simm.s32 $0x1BFF;
	s21 =	sshll.u32 s7, $0x1;
	s4 =	sadd.s32 s19, s18  }
0xa2: {  	s8 =	simm.s32 $0x0;
	s20 =	sshll.u32 s6, $0x1;
	s6 =	sadd.s32 s21, s4  }
0xa3: {  	[timem:s8], [sflag:s22] =	dma.local [hbm:s6], s20  }
0xa4: {  	_ =	swait.ge [sflag:s22], s20  }
0xa5: {  	s5 =	ssub.s32 $0x0, s20;
	[sflag:s22] =	ssyncset.done $0x0  }
0xa6: {  	[sflag:s22] =	ssyncadd.s32 s5;
	_ =	sdelay $0x1  }
0xa7: {  	s23 =	simm.s32 $0x1B8B  }
0xa8: {  	_ =	swait.ge [sflag:s23], $0x1  }
0xa9: {  	[sflag:s23] =	ssyncset.done $0x0  }
0xaa: {  	s25 =	simm.s32 $0x1B8E;
	s24 =	sld [smem:$0x3FFE];
	[sflag:s23] =	ssyncadd.s32 $0xFFFFFFFF  }
0xab: {  	s26 =	simm.s32 $execute0_lowered;
	[smem:$0x3FD2] =	sst s25  }
0xac: {  	s6 =	sshll.u32 s26, $0x1;
	_ =	strace $0x80000046;
	[dreg:$0x1] =	wrdreg $0xFFFFFFFF  }
0xad: {  	s28 =	simm.s32 $_size_execute0_lowered;
	s4 =	sadd.s32 s4, s6;
	[dreg:$0x0] =	wrdreg $0x0  }
0xae: {  	s6 =	sshll.u32 s28, $0x1;
	[dreg:$0x2] =	wrdreg s4  }
0xaf: {  	[dreg:$0x3] =	wrdreg s6  }
0xb0: {  	[dreg:$0x4] =	wrdreg $0xC0  }
0xb1: {  	_ =	task [dreg:s8], $0x5FFFF  }
0xb2: {  	[dreg:$0x1] =	wrdreg $0xFFFFFFFF  }
0xb3: {  	[dreg:$0x0] =	wrdreg $0x60  }
0xb4: {  	[dreg:$0x2] =	wrdreg s24  }
0xb5: {  	[dreg:$0x3] =	wrdreg s15  }
0xb6: {  	[dreg:$0x4] =	wrdreg s16  }
0xb7: {  	[dreg:$0x5] =	wrdreg $0x1800  }
0xb8: {  	[dreg:$0x6] =	wrdreg $0x9  }
0xb9: {  	_ =	task.clear_ibuf [dreg:s8], $0x7FFFF;
	_ =	strace $0x90000046  }
0xba: {  	s29 =	simm.s32 $0x9;
	_ =	strace $0x80000048  }
0xbb: {  	_ =	swait.ge [sflag:s29], $0x1  }
0xbc: {  	[sflag:s29] =	ssyncadd.s32 $0xFFFFFFFF  }
0xbd: {  	_ =	strace $0x90000048  }
0xbe: {  	_ =	sfence  }
0xbf: {  	s30 =	sld [smem:$0x0];
	_ =	sdelay $0x2  }
0xc0: {  	s31 =	sshll.u32 s1, $0xD;
	s1 =	sshrl.u32 s1, $0x2  }
0xc1: {  	s3 =	sand.u32 $0x4000, s31;
	s1 =	sadd.s32 s1, s30  }
0xc2: {  	s0 =	sor.u32 s3, s0;
	s1 =	sshll.u32 s1, $0x11  }
0xc3: {  	s0 =	sor.u32 s1, s0  }
0xc4: {  	s0 =	sadd.s32 $0x8F2B, s0  }
0xc5: {  	[sflag:s0] =	ssyncadd.remote.s32 $0x1  }
0xc6: {  	_ =	sfence.sel $0xFFFF  }
0xc7: {  	[dreg:$0x0] =	wrdreg $0xFFFFFFFF;
	(pc) =	sbr.abs _section_cstart, $3  }
0xc8: {  	[dreg:$0x1] =	wrdreg $0xFFFFFFFF  }
0xc9: {  	_ =	task.clear_ibuf [dreg:s8], $0x2FFFF;
	_ =	strace $0x9FFFFFFF  }
0xca: {  	(tm) =	ssettm $0x7FFFFFFF  }
0xcb: {  	_ =	shalt  }
tec
execute0_lowered:
.L_overlay_start_1:
0x0: {  	(tag) =	ssettag $0x1  }
0x1: {  	s4 =	rddreg [dreg:$0x0]  }
0x2: {  	s5 =	rddreg [dreg:$0x1]  }
0x3: {  	s1 =	srdreg.scid;
	s7 =	rddreg [dreg:$0x2]  }
0x4: {  	s0 =	stileid.u32;
	s2 =	rddreg [dreg:$0x3];
	s12 =	simm.s32 $0x400  }
0x5: {  	s14 =	simm.s32 $0x1;
	s15 =	simm.s32 $0x0;
	s8 =	sand.u32 $0x1, s1  }
0x6: {  	s3 =	sshll.u32 s0, $0x8;
	s1 =	rddreg [dreg:$0x4];
	s9 =	sshll.u32 s0, $0x9  }
0x7: {  	s29 =	sshll.u32 s0, $0xB;
	s30 =	sshll.u32 s0, $0xE;
	s13 =	sshll.u32 s0, $0x6  }
0x8: {  	s11 =	sshll.u32 s0, $0x11;
	s6 =	sshll.u32 s8, $0x7;
	s9 =	sand.u32 $0x1800, s9  }
0x9: {  	s28 =	ssub.s32 $0x2, s8;
	s31 =	sadd.s32 s30, s2;
	s11 =	sadd.s32 s11, s7  }
0xa: {  	s8 =	sshll.u32 s8, $0x10;
	s6 =	sor.u32 s6, s3;
	s3 =	simm.s32 $0x0  }
0xb: {  	s10 =	sshrl.u32 s28, $0x1;
	s8 =	sadd.s32 s8, s11;
	s11 =	simm.s32 $0x80  }
.Ltmp0:
0xc: {  	s6 =	sand.u32 $0x380, s6;
	[smem:$0x7FF] =	sst s3;
	(pc) =	sbr.rel .LBB2_1-.Ltmp0, $4  }
0xd: {  	s6 =	sor.u32 s6, s9;
	_ =	strace $0x80000047;
	s9 =	ssub.s32 s28, s10  }
0xe: {  	s10 =	simm.s32 $0x2;
	s6 =	sshrl.u32 s6, $0x3;
	s7 =	smax.u32 s9, $0x1  }
0xf: {  	s9 =	sshrl.u32 s31, $0x3;
	s6 =	sadd.s32 s6, s4;
	s4 =	sadd.s32 s5, s29  }
0x10: {  	s5 =	sor.u32 $0x1C02, s13;
	s13 =	sor.u32 $0x1C01, s13;
	s6 =	sadd.s32 $0x800, s6  }
.LBB2_5:
0x11: {  	_ =	swait.ge [sflag:s14], $0x100  }
0x12: {  	[sflag:s14] =	ssyncset.done $0x0  }
0x13: {  	[sflag:s14] =	ssyncadd.s32 $0xFFFFFF00  }
0x14: {  	_ =	swait.ge [sflag:s14], $0x100  }
0x15: {  	[sflag:s14] =	ssyncset.done $0x0  }
0x16: {  	[sflag:s14] =	ssyncadd.s32 $0xFFFFFF00  }
0x17: {  	_ =	swait.ge [sflag:s14], $0x100  }
0x18: {  	[sflag:s14] =	ssyncset.done $0x0  }
0x19: {  	[sflag:s14] =	ssyncadd.s32 $0xFFFFFF00  }
0x1a: {  	_ =	swait.ge [sflag:s14], $0x100  }
0x1b: {  	[sflag:s14] =	ssyncset.done $0x0  }
0x1c: {  	[sflag:s14] =	ssyncadd.s32 $0xFFFFFF00  }
0x1d: {  	_ =	swait.ge [sflag:s14], $0x100  }
0x1e: {  	[sflag:s14] =	ssyncset.done $0x0  }
0x1f: {  	[sflag:s14] =	ssyncadd.s32 $0xFFFFFF00  }
0x20: {  	_ =	swait.ge [sflag:s14], $0x100  }
0x21: {  	[sflag:s14] =	ssyncset.done $0x0  }
0x22: {  	[sflag:s14] =	ssyncadd.s32 $0xFFFFFF00  }
0x23: {  	_ =	swait.ge [sflag:s14], $0x100  }
0x24: {  	[sflag:s14] =	ssyncset.done $0x0  }
0x25: {  	[sflag:s14] =	ssyncadd.s32 $0xFFFFFF00  }
0x26: {  	_ =	swait.ge [sflag:s14], $0x100  }
0x27: {  	[sflag:s14] =	ssyncset.done $0x0  }
0x28: {  	[sflag:s14] =	ssyncadd.s32 $0xFFFFFF00  }
0x29: {  	_ =	swait.ge [sflag:s14], $0x100  }
0x2a: {  	[sflag:s14] =	ssyncset.done $0x0  }
0x2b: {  	[sflag:s14] =	ssyncadd.s32 $0xFFFFFF00  }
0x2c: {  	_ =	swait.ge [sflag:s14], $0x100  }
0x2d: {  	[sflag:s14] =	ssyncset.done $0x0  }
0x2e: {  	[sflag:s14] =	ssyncadd.s32 $0xFFFFFF00  }
0x2f: {  	_ =	swait.ge [sflag:s14], $0x100  }
0x30: {  	[sflag:s14] =	ssyncset.done $0x0  }
0x31: {  	[sflag:s14] =	ssyncadd.s32 $0xFFFFFF00  }
0x32: {  	_ =	swait.ge [sflag:s14], $0x100  }
0x33: {  	[sflag:s14] =	ssyncset.done $0x0  }
0x34: {  	[sflag:s14] =	ssyncadd.s32 $0xFFFFFF00  }
0x35: {  	_ =	swait.ge [sflag:s14], $0x100  }
0x36: {  	[sflag:s14] =	ssyncset.done $0x0  }
0x37: {  	[sflag:s14] =	ssyncadd.s32 $0xFFFFFF00  }
0x38: {  	_ =	swait.ge [sflag:s14], $0x100  }
0x39: {  	[sflag:s14] =	ssyncset.done $0x0  }
0x3a: {  	[sflag:s14] =	ssyncadd.s32 $0xFFFFFF00  }
0x3b: {  	_ =	swait.ge [sflag:s14], $0x100  }
0x3c: {  	[sflag:s14] =	ssyncset.done $0x0  }
0x3d: {  	[sflag:s14] =	ssyncadd.s32 $0xFFFFFF00  }
0x3e: {  	_ =	swait.ge [sflag:s14], $0x100  }
0x3f: {  	[sflag:s14] =	ssyncset.done $0x0  }
0x40: {  	[sflag:s14] =	ssyncadd.s32 $0xFFFFFF00  }
0x41: {  	_ =	swait.ge [sflag:s14], $0x100  }
0x42: {  	[sflag:s14] =	ssyncset.done $0x0  }
0x43: {  	[sflag:s14] =	ssyncadd.s32 $0xFFFFFF00  }
0x44: {  	_ =	swait.ge [sflag:s14], $0x100  }
0x45: {  	[sflag:s14] =	ssyncset.done $0x0  }
0x46: {  	[sflag:s14] =	ssyncadd.s32 $0xFFFFFF00  }
0x47: {  	_ =	swait.ge [sflag:s14], $0x100  }
0x48: {  	[sflag:s14] =	ssyncset.done $0x0  }
0x49: {  	[sflag:s14] =	ssyncadd.s32 $0xFFFFFF00  }
0x4a: {  	_ =	swait.ge [sflag:s14], $0x100  }
0x4b: {  	[sflag:s14] =	ssyncset.done $0x0  }
0x4c: {  	[sflag:s14] =	ssyncadd.s32 $0xFFFFFF00  }
0x4d: {  	_ =	swait.ge [sflag:s14], $0x100  }
0x4e: {  	[sflag:s14] =	ssyncset.done $0x0  }
0x4f: {  	[sflag:s14] =	ssyncadd.s32 $0xFFFFFF00  }
0x50: {  	_ =	swait.ge [sflag:s14], $0x100  }
0x51: {  	[sflag:s14] =	ssyncset.done $0x0  }
0x52: {  	[sflag:s14] =	ssyncadd.s32 $0xFFFFFF00  }
0x53: {  	_ =	swait.ge [sflag:s14], $0x100  }
0x54: {  	[sflag:s14] =	ssyncset.done $0x0  }
0x55: {  	[sflag:s14] =	ssyncadd.s32 $0xFFFFFF00  }
0x56: {  	_ =	swait.ge [sflag:s14], $0x100  }
0x57: {  	[sflag:s14] =	ssyncset.done $0x0  }
0x58: {  	[sflag:s14] =	ssyncadd.s32 $0xFFFFFF00  }
0x59: {  	_ =	swait.ge [sflag:s14], $0x100  }
0x5a: {  	[sflag:s14] =	ssyncset.done $0x0  }
0x5b: {  	[sflag:s14] =	ssyncadd.s32 $0xFFFFFF00  }
0x5c: {  	_ =	swait.ge [sflag:s14], $0x100  }
0x5d: {  	[sflag:s14] =	ssyncset.done $0x0  }
0x5e: {  	[sflag:s14] =	ssyncadd.s32 $0xFFFFFF00  }
0x5f: {  	_ =	swait.ge [sflag:s14], $0x100  }
0x60: {  	[sflag:s14] =	ssyncset.done $0x0  }
0x61: {  	[sflag:s14] =	ssyncadd.s32 $0xFFFFFF00  }
0x62: {  	_ =	swait.ge [sflag:s14], $0x100  }
0x63: {  	[sflag:s14] =	ssyncset.done $0x0  }
0x64: {  	[sflag:s14] =	ssyncadd.s32 $0xFFFFFF00  }
0x65: {  	_ =	swait.ge [sflag:s14], $0x100  }
0x66: {  	[sflag:s14] =	ssyncset.done $0x0  }
0x67: {  	[sflag:s14] =	ssyncadd.s32 $0xFFFFFF00  }
0x68: {  	_ =	swait.ge [sflag:s14], $0x100  }
0x69: {  	[sflag:s14] =	ssyncset.done $0x0  }
0x6a: {  	s15 =	sadd.s32 $0x1, s15;
	[sflag:s14] =	ssyncadd.s32 $0xFFFFFF00  }
0x6b: {  	p0 =	sne.s32 s15, s7;
	_ =	swait.ge [sflag:s14], $0x100  }
.Ltmp1:
0x6c: {  	[sflag:s14] =	ssyncset.done $0x0;
	(pc) =	sbr.rel @!p0 .LBB2_6-.Ltmp1, $4  }
0x6d: {  	[sflag:s14] =	ssyncadd.s32 $0xFFFFFF00  }
0x6e: {  	_ =	swait.ge [sflag:s14], $0x100  }
0x6f: {  	[sflag:s14] =	ssyncset.done $0x0  }
0x70: {  	[sflag:s14] =	ssyncadd.s32 $0xFFFFFF00  }
.LBB2_1:
0x71: {  	[spmem:s9], [sflag:s5] =	dma.local [hbm:s4], $0x800  }
0x72: {  	_ =	swait.ge [sflag:s10], $0x800  }
0x73: {  	[sflag:s10] =	ssyncset.done $0x0  }
0x74: {  	[sflag:s10] =	ssyncadd.s32 $0xFFFFF800  }
0x75: {  	[tilespmem:s3], [sflag:$0x2] =	stream.strided.gather [hbm4b:s6+s11], $0x100, s12, s11, $0x38;
	[tilespmem:$0x4180] =	vst v63  }
.Ltmp2:
0x76: {  	_ =	swait.ge [sflag:s10], $0x100;
	(pc) =	sbr.rel .LBB2_2-.Ltmp2, $4  }
0x77: {  	[sflag:s10] =	ssyncset.done $0x0  }
0x78: {  	[sflag:s10] =	ssyncadd.s32 $0xFFFFFF00  }
0x79: {  	[bflag:$0x0] =	sbarrier.arrive $0xFFFF  }
0x7a: {  	s16 =	simm.s32 $0x10;
	s17 =	simm.s32 $0x0  }
.LBB2_4:
0x7b: {  	s17 =	sadd.s32 $0x2000, s17  }
0x7c: {  	p0 =	sne.s32 s17, $0x10000  }
.Ltmp3:
0x7d: {  	_ = 	snop;
	(pc) =	sbr.rel @!p0 .LBB2_5-.Ltmp3, $2  }
0x7e: {  	_ =	sdelay $0x2  }
0x7f: {  	s16 =	sadd.s32 $0x20, s16  }
.LBB2_2:
0x80: {  	v0 =	vld [tilespmem:s16+$0xFFFFFFF0];
	_ =	sdelay $0x4  }
0x81: {  	(v2sf) =	vpush v0, $0x0;
	_ =	sdelay $0xe  }
0x82: {  	s18 =	spop (v2sf)  }
0x83: {  	s19 =	sshll.u32 s18, $0xB  }
0x84: {  	s18 =	sshll.u32 s18, $0x7;
	s19 =	sand.u32 $0xFFFFC000, s19  }
0x85: {  	s18 =	sand.u32 $0x380, s18;
	s19 =	sadd.s32 s19, s2  }
0x86: {  	s19 =	sadd.s32 s18, s19  }
0x87: {  	s18 =	sadd.s32 s17, s8;
	s19 =	sshrl.u32 s19, $0x3  }
0x88: {  	[hbm:s18@s11], [sflag:s13] =	dma.strided [spmem:s19@s11], $0x100, s14, $0x10   }
0x89: {  	(v2sf) =	vpush v0, $0x1;
	_ =	sdelay $0xe  }
0x8a: {  	s19 =	spop (v2sf)  }
0x8b: {  	s20 =	sshll.u32 s19, $0xB  }
0x8c: {  	s19 =	sshll.u32 s19, $0x7;
	s20 =	sand.u32 $0xFFFFC000, s20  }
0x8d: {  	s19 =	sand.u32 $0x380, s19;
	s20 =	sadd.s32 s20, s2  }
0x8e: {  	s19 =	sadd.s32 s19, s20  }
0x8f: {  	s21 =	sadd.s32 $0x10, s18;
	s19 =	sshrl.u32 s19, $0x3  }
0x90: {  	[hbm:s21@s11], [sflag:s13] =	dma.strided [spmem:s19@s11], $0x100, s14, $0x10   }
0x91: {  	(v2sf) =	vpush v0, $0x2;
	_ =	sdelay $0xe  }
0x92: {  	s19 =	spop (v2sf)  }
0x93: {  	s22 =	sshll.u32 s19, $0xB  }
0x94: {  	s19 =	sshll.u32 s19, $0x7;
	s20 =	sand.u32 $0xFFFFC000, s22  }
0x95: {  	s19 =	sand.u32 $0x380, s19;
	s20 =	sadd.s32 s20, s2  }
0x96: {  	s19 =	sadd.s32 s19, s20  }
0x97: {  	s23 =	sadd.s32 $0x20, s18;
	s19 =	sshrl.u32 s19, $0x3  }
0x98: {  	[hbm:s23@s11], [sflag:s13] =	dma.strided [spmem:s19@s11], $0x100, s14, $0x10   }
0x99: {  	(v2sf) =	vpush v0, $0x3;
	_ =	sdelay $0xe  }
0x9a: {  	s19 =	spop (v2sf)  }
0x9b: {  	s24 =	sshll.u32 s19, $0xB  }
0x9c: {  	s19 =	sshll.u32 s19, $0x7;
	s20 =	sand.u32 $0xFFFFC000, s24  }
0x9d: {  	s19 =	sand.u32 $0x380, s19;
	s20 =	sadd.s32 s20, s2  }
0x9e: {  	s19 =	sadd.s32 s19, s20  }
0x9f: {  	s25 =	sadd.s32 $0x30, s18;
	s19 =	sshrl.u32 s19, $0x3  }
0xa0: {  	[hbm:s25@s11], [sflag:s13] =	dma.strided [spmem:s19@s11], $0x100, s14, $0x10   }
0xa1: {  	(v2sf) =	vpush v0, $0x4;
	_ =	sdelay $0xe  }
0xa2: {  	s19 =	spop (v2sf)  }
0xa3: {  	s26 =	sshll.u32 s19, $0xB  }
0xa4: {  	s19 =	sshll.u32 s19, $0x7;
	s20 =	sand.u32 $0xFFFFC000, s26  }
0xa5: {  	s19 =	sand.u32 $0x380, s19;
	s20 =	sadd.s32 s20, s2  }
0xa6: {  	s19 =	sadd.s32 s19, s20  }
0xa7: {  	s28 =	sadd.s32 $0x40, s18;
	s19 =	sshrl.u32 s19, $0x3  }
0xa8: {  	[hbm:s28@s11], [sflag:s13] =	dma.strided [spmem:s19@s11], $0x100, s14, $0x10   }
0xa9: {  	(v2sf) =	vpush v0, $0x5;
	_ =	sdelay $0xe  }
0xaa: {  	s19 =	spop (v2sf)  }
0xab: {  	s29 =	sshll.u32 s19, $0xB  }
0xac: {  	s19 =	sshll.u32 s19, $0x7;
	s20 =	sand.u32 $0xFFFFC000, s29  }
0xad: {  	s19 =	sand.u32 $0x380, s19;
	s20 =	sadd.s32 s20, s2  }
0xae: {  	s19 =	sadd.s32 s19, s20  }
0xaf: {  	s30 =	sadd.s32 $0x50, s18;
	s19 =	sshrl.u32 s19, $0x3  }
0xb0: {  	[hbm:s30@s11], [sflag:s13] =	dma.strided [spmem:s19@s11], $0x100, s14, $0x10   }
0xb1: {  	(v2sf) =	vpush v0, $0x6;
	_ =	sdelay $0xe  }
0xb2: {  	s19 =	spop (v2sf)  }
0xb3: {  	s31 =	sshll.u32 s19, $0xB  }
0xb4: {  	s19 =	sshll.u32 s19, $0x7;
	s20 =	sand.u32 $0xFFFFC000, s31  }
0xb5: {  	s19 =	sand.u32 $0x380, s19;
	s20 =	sadd.s32 s20, s2  }
0xb6: {  	s19 =	sadd.s32 s19, s20  }
0xb7: {  	s21 =	sadd.s32 $0x60, s18;
	s19 =	sshrl.u32 s19, $0x3  }
0xb8: {  	[hbm:s21@s11], [sflag:s13] =	dma.strided [spmem:s19@s11], $0x100, s14, $0x10   }
0xb9: {  	(v2sf) =	vpush v0, $0x7;
	_ =	sdelay $0xe  }
0xba: {  	s19 =	spop (v2sf)  }
0xbb: {  	s22 =	sshll.u32 s19, $0xB  }
0xbc: {  	s19 =	sshll.u32 s19, $0x7;
	s20 =	sand.u32 $0xFFFFC000, s22  }
0xbd: {  	s19 =	sand.u32 $0x380, s19;
	s20 =	sadd.s32 s20, s2  }
0xbe: {  	s19 =	sadd.s32 s19, s20  }
0xbf: {  	s23 =	sadd.s32 $0x70, s18;
	s19 =	sshrl.u32 s19, $0x3  }
0xc0: {  	[hbm:s23@s11], [sflag:s13] =	dma.strided [spmem:s19@s11], $0x100, s14, $0x10   }
0xc1: {  	(v2sf) =	vpush v0, $0x8;
	_ =	sdelay $0xe  }
0xc2: {  	s19 =	spop (v2sf)  }
0xc3: {  	s24 =	sshll.u32 s19, $0xB  }
0xc4: {  	s19 =	sshll.u32 s19, $0x7;
	s20 =	sand.u32 $0xFFFFC000, s24  }
0xc5: {  	s19 =	sand.u32 $0x380, s19;
	s20 =	sadd.s32 s20, s2  }
0xc6: {  	s19 =	sadd.s32 s19, s20  }
0xc7: {  	s25 =	sadd.s32 $0x800, s18;
	s19 =	sshrl.u32 s19, $0x3  }
0xc8: {  	[hbm:s25@s11], [sflag:s13] =	dma.strided [spmem:s19@s11], $0x100, s14, $0x10   }
0xc9: {  	(v2sf) =	vpush v0, $0x9;
	_ =	sdelay $0xe  }
0xca: {  	s19 =	spop (v2sf)  }
0xcb: {  	s26 =	sshll.u32 s19, $0xB  }
0xcc: {  	s19 =	sshll.u32 s19, $0x7;
	s20 =	sand.u32 $0xFFFFC000, s26  }
0xcd: {  	s19 =	sand.u32 $0x380, s19;
	s20 =	sadd.s32 s20, s2  }
0xce: {  	s19 =	sadd.s32 s19, s20  }
0xcf: {  	s28 =	sadd.s32 $0x810, s18;
	s19 =	sshrl.u32 s19, $0x3  }
0xd0: {  	[hbm:s28@s11], [sflag:s13] =	dma.strided [spmem:s19@s11], $0x100, s14, $0x10   }
0xd1: {  	(v2sf) =	vpush v0, $0xA;
	_ =	sdelay $0xe  }
0xd2: {  	s19 =	spop (v2sf)  }
0xd3: {  	s29 =	sshll.u32 s19, $0xB  }
0xd4: {  	s19 =	sshll.u32 s19, $0x7;
	s20 =	sand.u32 $0xFFFFC000, s29  }
0xd5: {  	s19 =	sand.u32 $0x380, s19;
	s20 =	sadd.s32 s20, s2  }
0xd6: {  	s19 =	sadd.s32 s19, s20  }
0xd7: {  	s30 =	sadd.s32 $0x820, s18;
	s19 =	sshrl.u32 s19, $0x3  }
0xd8: {  	[hbm:s30@s11], [sflag:s13] =	dma.strided [spmem:s19@s11], $0x100, s14, $0x10   }
0xd9: {  	(v2sf) =	vpush v0, $0xB;
	_ =	sdelay $0xe  }
0xda: {  	s19 =	spop (v2sf)  }
0xdb: {  	s31 =	sshll.u32 s19, $0xB  }
0xdc: {  	s19 =	sshll.u32 s19, $0x7;
	s20 =	sand.u32 $0xFFFFC000, s31  }
0xdd: {  	s19 =	sand.u32 $0x380, s19;
	s20 =	sadd.s32 s20, s2  }
0xde: {  	s19 =	sadd.s32 s19, s20  }
0xdf: {  	s21 =	sadd.s32 $0x830, s18;
	s19 =	sshrl.u32 s19, $0x3  }
0xe0: {  	[hbm:s21@s11], [sflag:s13] =	dma.strided [spmem:s19@s11], $0x100, s14, $0x10   }
0xe1: {  	(v2sf) =	vpush v0, $0xC;
	_ =	sdelay $0xe  }
0xe2: {  	s19 =	spop (v2sf)  }
0xe3: {  	s22 =	sshll.u32 s19, $0xB  }
0xe4: {  	s19 =	sshll.u32 s19, $0x7;
	s20 =	sand.u32 $0xFFFFC000, s22  }
0xe5: {  	s19 =	sand.u32 $0x380, s19;
	s20 =	sadd.s32 s20, s2  }
0xe6: {  	s19 =	sadd.s32 s19, s20  }
0xe7: {  	s23 =	sadd.s32 $0x840, s18;
	s19 =	sshrl.u32 s19, $0x3  }
0xe8: {  	[hbm:s23@s11], [sflag:s13] =	dma.strided [spmem:s19@s11], $0x100, s14, $0x10   }
0xe9: {  	(v2sf) =	vpush v0, $0xD;
	_ =	sdelay $0xe  }
0xea: {  	s19 =	spop (v2sf)  }
0xeb: {  	s24 =	sshll.u32 s19, $0xB  }
0xec: {  	s19 =	sshll.u32 s19, $0x7;
	s20 =	sand.u32 $0xFFFFC000, s24  }
0xed: {  	s19 =	sand.u32 $0x380, s19;
	s20 =	sadd.s32 s20, s2  }
0xee: {  	s19 =	sadd.s32 s19, s20  }
0xef: {  	s25 =	sadd.s32 $0x850, s18;
	s19 =	sshrl.u32 s19, $0x3  }
0xf0: {  	[hbm:s25@s11], [sflag:s13] =	dma.strided [spmem:s19@s11], $0x100, s14, $0x10   }
0xf1: {  	(v2sf) =	vpush v0, $0xE;
	_ =	sdelay $0xe  }
0xf2: {  	s19 =	spop (v2sf)  }
0xf3: {  	s26 =	sshll.u32 s19, $0xB  }
0xf4: {  	s19 =	sshll.u32 s19, $0x7;
	s20 =	sand.u32 $0xFFFFC000, s26  }
0xf5: {  	s19 =	sand.u32 $0x380, s19;
	s20 =	sadd.s32 s20, s2  }
0xf6: {  	s19 =	sadd.s32 s19, s20  }
0xf7: {  	s28 =	sadd.s32 $0x860, s18;
	s19 =	sshrl.u32 s19, $0x3  }
0xf8: {  	[hbm:s28@s11], [sflag:s13] =	dma.strided [spmem:s19@s11], $0x100, s14, $0x10   }
0xf9: {  	(v2sf) =	vpush v0, $0xF;
	_ =	sdelay $0xe  }
0xfa: {  	s19 =	spop (v2sf)  }
0xfb: {  	s29 =	sshll.u32 s19, $0xB  }
0xfc: {  	s19 =	sshll.u32 s19, $0x7;
	s20 =	sand.u32 $0xFFFFC000, s29  }
0xfd: {  	s19 =	sand.u32 $0x380, s19;
	s20 =	sadd.s32 s20, s2  }
0xfe: {  	s19 =	sadd.s32 s19, s20  }
0xff: {  	s30 =	sadd.s32 $0x870, s18;
	s19 =	sshrl.u32 s19, $0x3  }
0x100: {  	[hbm:s30@s11], [sflag:s13] =	dma.strided [spmem:s19@s11], $0x100, s14, $0x10   }
0x101: {  	v63 =	vld [tilespmem:s16+$0x0];
	_ =	sdelay $0x4  }
0x102: {  	(v2sf) =	vpush v63, $0x0;
	_ =	sdelay $0xe  }
0x103: {  	s19 =	spop (v2sf)  }
0x104: {  	s31 =	sshll.u32 s19, $0xB  }
0x105: {  	s19 =	sshll.u32 s19, $0x7;
	s20 =	sand.u32 $0xFFFFC000, s31  }
0x106: {  	s19 =	sand.u32 $0x380, s19;
	s20 =	sadd.s32 s20, s2  }
0x107: {  	s19 =	sadd.s32 s19, s20  }
0x108: {  	s21 =	sadd.s32 $0x1000, s18;
	s19 =	sshrl.u32 s19, $0x3  }
0x109: {  	[hbm:s21@s11], [sflag:s13] =	dma.strided [spmem:s19@s11], $0x100, s14, $0x10   }
0x10a: {  	(v2sf) =	vpush v63, $0x1;
	_ =	sdelay $0xe  }
0x10b: {  	s19 =	spop (v2sf)  }
0x10c: {  	s22 =	sshll.u32 s19, $0xB  }
0x10d: {  	s19 =	sshll.u32 s19, $0x7;
	s20 =	sand.u32 $0xFFFFC000, s22  }
0x10e: {  	s19 =	sand.u32 $0x380, s19;
	s20 =	sadd.s32 s20, s2  }
0x10f: {  	s19 =	sadd.s32 s19, s20  }
0x110: {  	s23 =	sadd.s32 $0x1010, s18;
	s19 =	sshrl.u32 s19, $0x3  }
0x111: {  	[hbm:s23@s11], [sflag:s13] =	dma.strided [spmem:s19@s11], $0x100, s14, $0x10   }
0x112: {  	(v2sf) =	vpush v63, $0x2;
	_ =	sdelay $0xe  }
0x113: {  	s19 =	spop (v2sf)  }
0x114: {  	s24 =	sshll.u32 s19, $0xB  }
0x115: {  	s19 =	sshll.u32 s19, $0x7;
	s20 =	sand.u32 $0xFFFFC000, s24  }
0x116: {  	s19 =	sand.u32 $0x380, s19;
	s20 =	sadd.s32 s20, s2  }
0x117: {  	s19 =	sadd.s32 s19, s20  }
0x118: {  	s25 =	sadd.s32 $0x1020, s18;
	s19 =	sshrl.u32 s19, $0x3  }
0x119: {  	[hbm:s25@s11], [sflag:s13] =	dma.strided [spmem:s19@s11], $0x100, s14, $0x10   }
0x11a: {  	(v2sf) =	vpush v63, $0x3;
	_ =	sdelay $0xe  }
0x11b: {  	s19 =	spop (v2sf)  }
0x11c: {  	s26 =	sshll.u32 s19, $0xB  }
0x11d: {  	s19 =	sshll.u32 s19, $0x7;
	s20 =	sand.u32 $0xFFFFC000, s26  }
0x11e: {  	s19 =	sand.u32 $0x380, s19;
	s20 =	sadd.s32 s20, s2  }
0x11f: {  	s19 =	sadd.s32 s19, s20  }
0x120: {  	s28 =	sadd.s32 $0x1030, s18;
	s19 =	sshrl.u32 s19, $0x3  }
0x121: {  	[hbm:s28@s11], [sflag:s13] =	dma.strided [spmem:s19@s11], $0x100, s14, $0x10   }
0x122: {  	(v2sf) =	vpush v63, $0x4;
	_ =	sdelay $0xe  }
0x123: {  	s19 =	spop (v2sf)  }
0x124: {  	s29 =	sshll.u32 s19, $0xB  }
0x125: {  	s19 =	sshll.u32 s19, $0x7;
	s20 =	sand.u32 $0xFFFFC000, s29  }
0x126: {  	s19 =	sand.u32 $0x380, s19;
	s20 =	sadd.s32 s20, s2  }
0x127: {  	s19 =	sadd.s32 s19, s20  }
0x128: {  	s30 =	sadd.s32 $0x1040, s18;
	s19 =	sshrl.u32 s19, $0x3  }
0x129: {  	[hbm:s30@s11], [sflag:s13] =	dma.strided [spmem:s19@s11], $0x100, s14, $0x10   }
0x12a: {  	(v2sf) =	vpush v63, $0x5;
	_ =	sdelay $0xe  }
0x12b: {  	s19 =	spop (v2sf)  }
0x12c: {  	s31 =	sshll.u32 s19, $0xB  }
0x12d: {  	s19 =	sshll.u32 s19, $0x7;
	s20 =	sand.u32 $0xFFFFC000, s31  }
0x12e: {  	s19 =	sand.u32 $0x380, s19;
	s20 =	sadd.s32 s20, s2  }
0x12f: {  	s19 =	sadd.s32 s19, s20  }
0x130: {  	s21 =	sadd.s32 $0x1050, s18;
	s19 =	sshrl.u32 s19, $0x3  }
0x131: {  	[hbm:s21@s11], [sflag:s13] =	dma.strided [spmem:s19@s11], $0x100, s14, $0x10   }
0x132: {  	(v2sf) =	vpush v63, $0x6;
	_ =	sdelay $0xe  }
0x133: {  	s19 =	spop (v2sf)  }
0x134: {  	s22 =	sshll.u32 s19, $0xB  }
0x135: {  	s19 =	sshll.u32 s19, $0x7;
	s20 =	sand.u32 $0xFFFFC000, s22  }
0x136: {  	s19 =	sand.u32 $0x380, s19;
	s20 =	sadd.s32 s20, s2  }
0x137: {  	s19 =	sadd.s32 s19, s20  }
0x138: {  	s23 =	sadd.s32 $0x1060, s18;
	s19 =	sshrl.u32 s19, $0x3  }
0x139: {  	[hbm:s23@s11], [sflag:s13] =	dma.strided [spmem:s19@s11], $0x100, s14, $0x10   }
0x13a: {  	(v2sf) =	vpush v63, $0x7;
	_ =	sdelay $0xe  }
0x13b: {  	s19 =	spop (v2sf)  }
0x13c: {  	s24 =	sshll.u32 s19, $0xB  }
0x13d: {  	s19 =	sshll.u32 s19, $0x7;
	s20 =	sand.u32 $0xFFFFC000, s24  }
0x13e: {  	s19 =	sand.u32 $0x380, s19;
	s20 =	sadd.s32 s20, s2  }
0x13f: {  	s19 =	sadd.s32 s19, s20  }
0x140: {  	s25 =	sadd.s32 $0x1070, s18;
	s19 =	sshrl.u32 s19, $0x3  }
0x141: {  	[hbm:s25@s11], [sflag:s13] =	dma.strided [spmem:s19@s11], $0x100, s14, $0x10   }
0x142: {  	(v2sf) =	vpush v63, $0x8;
	_ =	sdelay $0xe  }
0x143: {  	s19 =	spop (v2sf)  }
0x144: {  	s26 =	sshll.u32 s19, $0xB  }
0x145: {  	s19 =	sshll.u32 s19, $0x7;
	s20 =	sand.u32 $0xFFFFC000, s26  }
0x146: {  	s19 =	sand.u32 $0x380, s19;
	s20 =	sadd.s32 s20, s2  }
0x147: {  	s19 =	sadd.s32 s19, s20  }
0x148: {  	s28 =	sadd.s32 $0x1800, s18;
	s19 =	sshrl.u32 s19, $0x3  }
0x149: {  	[hbm:s28@s11], [sflag:s13] =	dma.strided [spmem:s19@s11], $0x100, s14, $0x10   }
0x14a: {  	(v2sf) =	vpush v63, $0x9;
	_ =	sdelay $0xe  }
0x14b: {  	s19 =	spop (v2sf)  }
0x14c: {  	s29 =	sshll.u32 s19, $0xB  }
0x14d: {  	s19 =	sshll.u32 s19, $0x7;
	s20 =	sand.u32 $0xFFFFC000, s29  }
0x14e: {  	s19 =	sand.u32 $0x380, s19;
	s20 =	sadd.s32 s20, s2  }
0x14f: {  	s19 =	sadd.s32 s19, s20  }
0x150: {  	s30 =	sadd.s32 $0x1810, s18;
	s19 =	sshrl.u32 s19, $0x3  }
0x151: {  	[hbm:s30@s11], [sflag:s13] =	dma.strided [spmem:s19@s11], $0x100, s14, $0x10   }
0x152: {  	(v2sf) =	vpush v63, $0xA;
	_ =	sdelay $0xe  }
0x153: {  	s19 =	spop (v2sf)  }
0x154: {  	s31 =	sshll.u32 s19, $0xB  }
0x155: {  	s19 =	sshll.u32 s19, $0x7;
	s20 =	sand.u32 $0xFFFFC000, s31  }
0x156: {  	s19 =	sand.u32 $0x380, s19;
	s20 =	sadd.s32 s20, s2  }
0x157: {  	s19 =	sadd.s32 s19, s20  }
0x158: {  	s21 =	sadd.s32 $0x1820, s18;
	s19 =	sshrl.u32 s19, $0x3  }
0x159: {  	[hbm:s21@s11], [sflag:s13] =	dma.strided [spmem:s19@s11], $0x100, s14, $0x10   }
0x15a: {  	(v2sf) =	vpush v63, $0xB;
	_ =	sdelay $0xe  }
0x15b: {  	s19 =	spop (v2sf)  }
0x15c: {  	s22 =	sshll.u32 s19, $0xB  }
0x15d: {  	s19 =	sshll.u32 s19, $0x7;
	s20 =	sand.u32 $0xFFFFC000, s22  }
0x15e: {  	s19 =	sand.u32 $0x380, s19;
	s20 =	sadd.s32 s20, s2  }
0x15f: {  	s19 =	sadd.s32 s19, s20  }
0x160: {  	s23 =	sadd.s32 $0x1830, s18;
	s19 =	sshrl.u32 s19, $0x3  }
0x161: {  	[hbm:s23@s11], [sflag:s13] =	dma.strided [spmem:s19@s11], $0x100, s14, $0x10   }
0x162: {  	(v2sf) =	vpush v63, $0xC;
	_ =	sdelay $0xe  }
0x163: {  	s19 =	spop (v2sf)  }
0x164: {  	s24 =	sshll.u32 s19, $0xB  }
0x165: {  	s19 =	sshll.u32 s19, $0x7;
	s20 =	sand.u32 $0xFFFFC000, s24  }
0x166: {  	s19 =	sand.u32 $0x380, s19;
	s20 =	sadd.s32 s20, s2  }
0x167: {  	s19 =	sadd.s32 s19, s20  }
0x168: {  	s25 =	sadd.s32 $0x1840, s18;
	s19 =	sshrl.u32 s19, $0x3  }
0x169: {  	[hbm:s25@s11], [sflag:s13] =	dma.strided [spmem:s19@s11], $0x100, s14, $0x10   }
0x16a: {  	(v2sf) =	vpush v63, $0xD;
	_ =	sdelay $0xe  }
0x16b: {  	s19 =	spop (v2sf)  }
0x16c: {  	s26 =	sshll.u32 s19, $0xB  }
0x16d: {  	s19 =	sshll.u32 s19, $0x7;
	s20 =	sand.u32 $0xFFFFC000, s26  }
0x16e: {  	s19 =	sand.u32 $0x380, s19;
	s20 =	sadd.s32 s20, s2  }
0x16f: {  	s19 =	sadd.s32 s19, s20  }
0x170: {  	s28 =	sadd.s32 $0x1850, s18;
	s19 =	sshrl.u32 s19, $0x3  }
0x171: {  	[hbm:s28@s11], [sflag:s13] =	dma.strided [spmem:s19@s11], $0x100, s14, $0x10   }
0x172: {  	(v2sf) =	vpush v63, $0xE;
	_ =	sdelay $0xe  }
0x173: {  	s19 =	spop (v2sf)  }
0x174: {  	s29 =	sshll.u32 s19, $0xB  }
0x175: {  	s19 =	sshll.u32 s19, $0x7;
	s20 =	sand.u32 $0xFFFFC000, s29  }
0x176: {  	s19 =	sand.u32 $0x380, s19;
	s20 =	sadd.s32 s20, s2  }
0x177: {  	s19 =	sadd.s32 s19, s20  }
0x178: {  	s30 =	sadd.s32 $0x1860, s18;
	s19 =	sshrl.u32 s19, $0x3  }
0x179: {  	[hbm:s30@s11], [sflag:s13] =	dma.strided [spmem:s19@s11], $0x100, s14, $0x10   }
0x17a: {  	(v2sf) =	vpush v63, $0xF;
	_ =	sdelay $0xe  }
0x17b: {  	s19 =	spop (v2sf)  }
0x17c: {  	p0 =	seq.s32 s17, $0x0;
	s31 =	sshll.u32 s19, $0xB  }
.Ltmp4:
0x17d: {  	s19 =	sshll.u32 s19, $0x7;
	s20 =	sand.u32 $0xFFFFC000, s31;
	(pc) =	sbr.rel @p0 .LBB2_4-.Ltmp4, $4  }
0x17e: {  	s19 =	sand.u32 $0x380, s19;
	s20 =	sadd.s32 s20, s2  }
0x17f: {  	s19 =	sadd.s32 s19, s20  }
0x180: {  	s18 =	sadd.s32 $0x1870, s18;
	s19 =	sshrl.u32 s19, $0x3  }
0x181: {  	[hbm:s18@s11], [sflag:s13] =	dma.strided [spmem:s19@s11], $0x100, s14, $0x10   }
0x182: {  	_ =	swait.ge [sflag:s14], $0x100  }
0x183: {  	[sflag:s14] =	ssyncset.done $0x0  }
0x184: {  	[sflag:s14] =	ssyncadd.s32 $0xFFFFFF00  }
0x185: {  	_ =	swait.ge [sflag:s14], $0x100  }
0x186: {  	[sflag:s14] =	ssyncset.done $0x0  }
0x187: {  	[sflag:s14] =	ssyncadd.s32 $0xFFFFFF00  }
0x188: {  	_ =	swait.ge [sflag:s14], $0x100  }
0x189: {  	[sflag:s14] =	ssyncset.done $0x0  }
0x18a: {  	[sflag:s14] =	ssyncadd.s32 $0xFFFFFF00  }
0x18b: {  	_ =	swait.ge [sflag:s14], $0x100  }
0x18c: {  	[sflag:s14] =	ssyncset.done $0x0  }
0x18d: {  	[sflag:s14] =	ssyncadd.s32 $0xFFFFFF00  }
0x18e: {  	_ =	swait.ge [sflag:s14], $0x100  }
0x18f: {  	[sflag:s14] =	ssyncset.done $0x0  }
0x190: {  	[sflag:s14] =	ssyncadd.s32 $0xFFFFFF00  }
0x191: {  	_ =	swait.ge [sflag:s14], $0x100  }
0x192: {  	[sflag:s14] =	ssyncset.done $0x0  }
0x193: {  	[sflag:s14] =	ssyncadd.s32 $0xFFFFFF00  }
0x194: {  	_ =	swait.ge [sflag:s14], $0x100  }
0x195: {  	[sflag:s14] =	ssyncset.done $0x0  }
0x196: {  	[sflag:s14] =	ssyncadd.s32 $0xFFFFFF00  }
0x197: {  	_ =	swait.ge [sflag:s14], $0x100  }
0x198: {  	[sflag:s14] =	ssyncset.done $0x0  }
0x199: {  	[sflag:s14] =	ssyncadd.s32 $0xFFFFFF00  }
0x19a: {  	_ =	swait.ge [sflag:s14], $0x100  }
0x19b: {  	[sflag:s14] =	ssyncset.done $0x0  }
0x19c: {  	[sflag:s14] =	ssyncadd.s32 $0xFFFFFF00  }
0x19d: {  	_ =	swait.ge [sflag:s14], $0x100  }
0x19e: {  	[sflag:s14] =	ssyncset.done $0x0  }
0x19f: {  	[sflag:s14] =	ssyncadd.s32 $0xFFFFFF00  }
0x1a0: {  	_ =	swait.ge [sflag:s14], $0x100  }
0x1a1: {  	[sflag:s14] =	ssyncset.done $0x0  }
0x1a2: {  	[sflag:s14] =	ssyncadd.s32 $0xFFFFFF00  }
0x1a3: {  	_ =	swait.ge [sflag:s14], $0x100  }
0x1a4: {  	[sflag:s14] =	ssyncset.done $0x0  }
0x1a5: {  	[sflag:s14] =	ssyncadd.s32 $0xFFFFFF00  }
0x1a6: {  	_ =	swait.ge [sflag:s14], $0x100  }
0x1a7: {  	[sflag:s14] =	ssyncset.done $0x0  }
0x1a8: {  	[sflag:s14] =	ssyncadd.s32 $0xFFFFFF00  }
0x1a9: {  	_ =	swait.ge [sflag:s14], $0x100  }
0x1aa: {  	[sflag:s14] =	ssyncset.done $0x0  }
0x1ab: {  	[sflag:s14] =	ssyncadd.s32 $0xFFFFFF00  }
0x1ac: {  	_ =	swait.ge [sflag:s14], $0x100  }
0x1ad: {  	[sflag:s14] =	ssyncset.done $0x0  }
0x1ae: {  	[sflag:s14] =	ssyncadd.s32 $0xFFFFFF00  }
0x1af: {  	_ =	swait.ge [sflag:s14], $0x100  }
0x1b0: {  	[sflag:s14] =	ssyncset.done $0x0  }
0x1b1: {  	[sflag:s14] =	ssyncadd.s32 $0xFFFFFF00  }
0x1b2: {  	_ =	swait.ge [sflag:s14], $0x100  }
0x1b3: {  	[sflag:s14] =	ssyncset.done $0x0  }
0x1b4: {  	[sflag:s14] =	ssyncadd.s32 $0xFFFFFF00  }
0x1b5: {  	_ =	swait.ge [sflag:s14], $0x100  }
0x1b6: {  	[sflag:s14] =	ssyncset.done $0x0  }
0x1b7: {  	[sflag:s14] =	ssyncadd.s32 $0xFFFFFF00  }
0x1b8: {  	_ =	swait.ge [sflag:s14], $0x100  }
0x1b9: {  	[sflag:s14] =	ssyncset.done $0x0  }
0x1ba: {  	[sflag:s14] =	ssyncadd.s32 $0xFFFFFF00  }
0x1bb: {  	_ =	swait.ge [sflag:s14], $0x100  }
0x1bc: {  	[sflag:s14] =	ssyncset.done $0x0  }
0x1bd: {  	[sflag:s14] =	ssyncadd.s32 $0xFFFFFF00  }
0x1be: {  	_ =	swait.ge [sflag:s14], $0x100  }
0x1bf: {  	[sflag:s14] =	ssyncset.done $0x0  }
0x1c0: {  	[sflag:s14] =	ssyncadd.s32 $0xFFFFFF00  }
0x1c1: {  	_ =	swait.ge [sflag:s14], $0x100  }
0x1c2: {  	[sflag:s14] =	ssyncset.done $0x0  }
0x1c3: {  	[sflag:s14] =	ssyncadd.s32 $0xFFFFFF00  }
0x1c4: {  	_ =	swait.ge [sflag:s14], $0x100  }
0x1c5: {  	[sflag:s14] =	ssyncset.done $0x0  }
0x1c6: {  	[sflag:s14] =	ssyncadd.s32 $0xFFFFFF00  }
0x1c7: {  	_ =	swait.ge [sflag:s14], $0x100  }
0x1c8: {  	[sflag:s14] =	ssyncset.done $0x0  }
0x1c9: {  	[sflag:s14] =	ssyncadd.s32 $0xFFFFFF00  }
0x1ca: {  	_ =	swait.ge [sflag:s14], $0x100  }
0x1cb: {  	[sflag:s14] =	ssyncset.done $0x0  }
0x1cc: {  	[sflag:s14] =	ssyncadd.s32 $0xFFFFFF00  }
0x1cd: {  	_ =	swait.ge [sflag:s14], $0x100  }
0x1ce: {  	[sflag:s14] =	ssyncset.done $0x0  }
0x1cf: {  	[sflag:s14] =	ssyncadd.s32 $0xFFFFFF00  }
0x1d0: {  	_ =	swait.ge [sflag:s14], $0x100  }
0x1d1: {  	[sflag:s14] =	ssyncset.done $0x0  }
0x1d2: {  	[sflag:s14] =	ssyncadd.s32 $0xFFFFFF00  }
0x1d3: {  	_ =	swait.ge [sflag:s14], $0x100  }
0x1d4: {  	[sflag:s14] =	ssyncset.done $0x0  }
0x1d5: {  	[sflag:s14] =	ssyncadd.s32 $0xFFFFFF00  }
0x1d6: {  	_ =	swait.ge [sflag:s14], $0x100  }
0x1d7: {  	[sflag:s14] =	ssyncset.done $0x0  }
0x1d8: {  	[sflag:s14] =	ssyncadd.s32 $0xFFFFFF00  }
0x1d9: {  	_ =	swait.ge [sflag:s14], $0x100  }
0x1da: {  	[sflag:s14] =	ssyncset.done $0x0  }
0x1db: {  	[sflag:s14] =	ssyncadd.s32 $0xFFFFFF00  }
0x1dc: {  	_ =	swait.ge [sflag:s14], $0x100  }
.Ltmp5:
0x1dd: {  	[sflag:s14] =	ssyncset.done $0x0;
	(pc) =	sbr.rel .LBB2_4-.Ltmp5, $4  }
0x1de: {  	[sflag:s14] =	ssyncadd.s32 $0xFFFFFF00  }
0x1df: {  	_ =	swait.ge [sflag:s14], $0x100  }
0x1e0: {  	[sflag:s14] =	ssyncset.done $0x0  }
0x1e1: {  	[sflag:s14] =	ssyncadd.s32 $0xFFFFFF00  }
.LBB2_6:
0x1e2: {  	_ =	sfence.sel $0x180000  }
0x1e3: {  	[bflag:$0x0] =	sbarrier.arrive $0xFFFF  }
0x1e4: {  	p0 =	sne.s32 s0, $0x0;
	_ =	strace $0x90000047  }
0x1e5: {  	s0 =	sadd.s32 @!p0 $0x100000, s1;
	[bflag:$0x2] =	sbarrier.arrive $0xFFFF  }
0x1e6: {  	[sflag:s0] =	ssyncadd.tile.s32 @!p0 $0x1;
	_ =	shalt  }
.Lfunc_end2:
_tile_overlayer_lowered:
.L_overlay_start_2:
0x1e7: {  	(tag) =	ssettag $0x2  }
0x1e8: {  	s0 =	rddreg [dreg:$0x0];
	s2 =	stileid.u32  }
0x1e9: {  	s1 =	rddreg [dreg:$0x1];
	p0 =	sne.s32 s2, $0x0  }
0x1ea: {  	s3 =	rddreg [dreg:$0x2];
	[bflag:$0x3] =	sbarrier.arrive $0xFFFF;
	s2 =	simm.s32 @!p0 $0x1C02  }
0x1eb: {  	[timem:s3], [sflag:s2] =	dma.local @!p0 [hbm:s0], s1  }
0x1ec: {  	s0 =	simm.s32 @!p0 $0x2  }
0x1ed: {  	_ =	swait.ge @!p0 [sflag:s0], s1  }
0x1ee: {  	s1 =	ssub.s32 @!p0 $0x0, s1;
	[sflag:s0] =	ssyncset.done @!p0 $0x0  }
0x1ef: {  	[sflag:s0] =	ssyncadd.s32 @!p0 s1  }
0x1f0: {  	[bflag:$0x3] =	sbarrier.arrive $0xFFFF  }
0x1f1: {  	_ =	shalt  }

</sc_bundles>
